<compile_context>
chip_gen: v7x
topology: tpu7x:2x2x1
jax: 0.10.2.dev20260603
libtpu: 0.0.44.dev20260713+nightly
codegen_flags: <defaults>
</compile_context>

<pallas_src>
import functools

import jax
import jax.numpy as jnp
from jax.experimental import pallas as pl
from jax.experimental.pallas import tpu as pltpu

B, P, ZDIM, K = 16, 1024, 256, 16


def _silu(x):
    return x * jax.nn.sigmoid(x)


def _mlp_bn_silu(x, W, b):
    y = x @ W + b
    mu = jnp.mean(y, axis=0, keepdims=True)
    var = jnp.var(y, axis=0, keepdims=True)
    y = (y - mu) / jnp.sqrt(var + 1e-5)
    return jax.nn.silu(y)


def _knn_idx(pos, k):
    d2 = jnp.sum((pos[:, :, None, :] - pos[:, None, :, :]) ** 2, axis=-1)
    _, idx = jax.lax.top_k(-d2, k)
    return idx


def _pointnet_conv(x, pos, Wl, bl, Wg, bg, k):
    b, p, c = x.shape
    idx = _knn_idx(pos, k)
    bi = jnp.arange(b)[:, None, None]
    xj = x[bi, idx]
    pj = pos[bi, idx]
    rel = pj - pos[:, :, None, :]
    feat = jnp.concatenate([xj, rel], axis=-1).reshape(b * p * k, c + 3)
    msg = _mlp_bn_silu(feat, Wl, bl)
    gate = _mlp_bn_silu(msg, Wg, bg)
    oc = Wl.shape[1]
    msg = msg.reshape(b, p, k, oc)
    gate = gate.reshape(b, p, k, 1)
    alpha = jax.nn.softmax(gate, axis=2)
    return jnp.sum(alpha * msg, axis=2)


def _fps(pos, m):
    b, p, _ = pos.shape
    sel = jnp.zeros((b, m), dtype=jnp.int32)
    dist = jnp.sum((pos - pos[:, 0:1, :]) ** 2, axis=-1)

    def body(i, carry):
        sel, dist = carry
        nxt = jnp.argmax(dist, axis=1).astype(jnp.int32)
        sel = sel.at[:, i].set(nxt)
        npt = pos[jnp.arange(b), nxt]
        d = jnp.sum((pos - npt[:, None, :]) ** 2, axis=-1)
        return sel, jnp.minimum(dist, d)

    sel, _ = jax.lax.fori_loop(1, m, body, (sel, dist))
    return sel


def _final_pool_kernel(h_ref, wf_ref, bf_ref, out_ref):
    n = h_ref.shape[1]
    h = h_ref[...].reshape(B * n, ZDIM)
    y = jnp.dot(h, wf_ref[...], preferred_element_type=jnp.float32) + bf_ref[...]
    mu = jnp.mean(y, axis=0, keepdims=True)
    var = jnp.mean(y * y, axis=0, keepdims=True) - mu * mu
    g = _silu((y - mu) * jax.lax.rsqrt(var + 1e-5))
    g = g.reshape(B, n, ZDIM)
    g = g - jnp.max(g, axis=1, keepdims=True)
    e = jnp.exp(g)
    alpha = e / jnp.sum(e, axis=1, keepdims=True)
    out_ref[...] = jnp.sum(alpha * h.reshape(B, n, ZDIM), axis=1)


def _final_pool(h, Wf, bf):
    return pl.pallas_call(
        _final_pool_kernel,
        out_shape=jax.ShapeDtypeStruct((B, ZDIM), jnp.float32),
    )(h, Wf, bf)


def kernel(pos, batch, W1, b1, Wg1, bg1, W2, b2, Wg2, bg2, W3, b3, Wg3, bg3,
           Wf, bf):
    p0 = pos.reshape(B, P, 3)
    h = _pointnet_conv(p0, p0, W1, b1, Wg1, bg1, K)
    bi = jnp.arange(B)[:, None]
    sel = _fps(p0, P // 2)
    h, p1 = h[bi, sel], p0[bi, sel]
    h = _pointnet_conv(h, p1, W2, b2, Wg2, bg2, K)
    sel = _fps(p1, P // 4)
    h, p2 = h[bi, sel], p1[bi, sel]
    h = _pointnet_conv(h, p2, W3, b3, Wg3, bg3, K)
    return _final_pool(h, Wf, bf)

# --- scband reference (transcript-rebuilt; emitter-appended) ---
"""Pipeline reference for scband-attn-point-net-encoder-18227841204608 (READ-ONLY COPY).

The authoritative reference and input builder live on the scoring server;
editing this copy changes nothing except your own understanding.
"""

import jax, jax.numpy as jnp
import numpy as np

B, P, ZDIM, K = 16, 1024, 256, 16


def _mlp_bn_silu(x, W, b):
    # PyG MLP([fin, fout], act=SiLU, plain_last=False): Linear -> BatchNorm (train mode, gamma=1, beta=0) -> SiLU
    y = x @ W + b
    mu = jnp.mean(y, axis=0, keepdims=True)
    var = jnp.var(y, axis=0, keepdims=True)
    y = (y - mu) / jnp.sqrt(var + 1e-5)
    return jax.nn.silu(y)


def _knn_idx(pos, k):
    # knn_graph(pos, k, loop=True) for equal-size clouds: self is included (distance 0)
    d2 = jnp.sum((pos[:, :, None, :] - pos[:, None, :, :]) ** 2, axis=-1)
    _, idx = jax.lax.top_k(-d2, k)
    return idx  # [B, P, k] neighbor (source) indices per center (target)


def _pointnet_conv(x, pos, Wl, bl, Wg, bg, k):
    b, p, c = x.shape
    idx = _knn_idx(pos, k)
    bi = jnp.arange(b)[:, None, None]
    xj = x[bi, idx]
    pj = pos[bi, idx]
    rel = pj - pos[:, :, None, :]
    feat = jnp.concatenate([xj, rel], axis=-1).reshape(b * p * k, c + 3)
    msg = _mlp_bn_silu(feat, Wl, bl)
    gate = _mlp_bn_silu(msg, Wg, bg)
    oc = Wl.shape[1]
    msg = msg.reshape(b, p, k, oc)
    gate = gate.reshape(b, p, k, 1)
    alpha = jax.nn.softmax(gate, axis=2)  # AttentionalAggregation: softmax over edges per dst node
    return jnp.sum(alpha * msg, axis=2)


def _fps(pos, m):
    # farthest point sampling per cloud, deterministic start at local index 0
    b, p, _ = pos.shape
    sel = jnp.zeros((b, m), dtype=jnp.int32)
    dist = jnp.sum((pos - pos[:, 0:1, :]) ** 2, axis=-1)

    def body(i, carry):
        sel, dist = carry
        nxt = jnp.argmax(dist, axis=1).astype(jnp.int32)
        sel = sel.at[:, i].set(nxt)
        npt = pos[jnp.arange(b), nxt]
        d = jnp.sum((pos - npt[:, None, :]) ** 2, axis=-1)
        return sel, jnp.minimum(dist, d)

    sel, _ = jax.lax.fori_loop(1, m, body, (sel, dist))
    return sel


def _forward(pos, W1, b1, Wg1, bg1, W2, b2, Wg2, bg2, W3, b3, Wg3, bg3, Wf, bf):
    p0 = pos.reshape(B, P, 3)
    h = _pointnet_conv(p0, p0, W1, b1, Wg1, bg1, K)
    bi = jnp.arange(B)[:, None]
    sel = _fps(p0, P // 2)
    h, p1 = h[bi, sel], p0[bi, sel]
    h = _pointnet_conv(h, p1, W2, b2, Wg2, bg2, K)
    sel = _fps(p1, P // 4)
    h, p2 = h[bi, sel], p1[bi, sel]
    h = _pointnet_conv(h, p2, W3, b3, Wg3, bg3, K)
    n = h.shape[1]
    gate = _mlp_bn_silu(h.reshape(B * n, ZDIM), Wf, bf).reshape(B, n, ZDIM)
    alpha = jax.nn.softmax(gate, axis=1)  # per-cloud, per-channel segment softmax
    return jnp.sum(alpha * h, axis=1)  # [B, ZDIM]


def setup_inputs(seed: int = 0):
    key = jax.random.key(seed)
    ks = jax.random.split(key, 9)
    pos = jax.random.normal(ks[0], (B * P, 3), dtype=jnp.float32)
    batch = jnp.repeat(jnp.arange(B, dtype=jnp.int32), P)

    def lin(k, fi, fo):
        kw, _ = jax.random.split(k)
        W = jax.random.normal(kw, (fi, fo), dtype=jnp.float32) * (2.0 / (fi + fo)) ** 0.5
        b = jnp.zeros((fo,), dtype=jnp.float32)
        return W, b

    W1, b1 = lin(ks[1], 6, 64)
    Wg1, bg1 = lin(ks[2], 64, 1)
    W2, b2 = lin(ks[3], 67, 128)
    Wg2, bg2 = lin(ks[4], 128, 1)
    W3, b3 = lin(ks[5], 131, ZDIM)
    Wg3, bg3 = lin(ks[6], ZDIM, 1)
    Wf, bf = lin(ks[7], ZDIM, ZDIM)
    return {"pos": pos, "batch": batch, "W1": W1, "b1": b1, "Wg1": Wg1, "bg1": bg1, "W2": W2, "b2": b2, "Wg2": Wg2, "bg2": bg2, "W3": W3, "b3": b3, "Wg3": Wg3, "bg3": bg3, "Wf": Wf, "bf": bf}


def reference(pos, batch, W1, b1, Wg1, bg1, W2, b2, Wg2, bg2, W3, b3, Wg3, bg3, Wf, bf):
    # batch is sorted with equal-size clouds of P points; reshape-based batching is equivalent
    return _forward(pos, W1, b1, Wg1, bg1, W2, b2, Wg2, bg2, W3, b3, Wg3, bg3, Wf, bf)

if __name__ == "__main__":
    import jax
    _d = setup_inputs()
    print(jax.jit(kernel)(*tuple(_d.values())))

</pallas_src>

<mosaic_0001>
module attributes {stable_mosaic.version = 14 : i64} {
  func.func @_final_pool_kernel(%arg0: memref<16x256x256xf32, #tpu.memory_space<vmem>>, %arg1: memref<256x256xf32, #tpu.memory_space<vmem>>, %arg2: memref<256xf32, #tpu.memory_space<vmem>>, %arg3: memref<16x256xf32, #tpu.memory_space<vmem>>) attributes {dimension_semantics = [], scalar_prefetch = 0 : i64, scratch_operands = 0 : i64, tpu.core_type = #tpu.core_type<tc>} {
    %get3A = arith.constant 0 : index
    %get3A_0 = arith.constant 0 : index
    %get3A_1 = arith.constant 0 : index
    %get3A_2 = vector.load %arg0[%get3A, %get3A_0, %get3A_1] : memref<16x256x256xf32, #tpu.memory_space<vmem>>, vector<16x256x256xf32>
    %reshape3A = vector.shape_cast %get3A_2 : vector<16x256x256xf32> to vector<4096x256xf32>
    %get3A_3 = arith.constant 0 : index
    %get3A_4 = arith.constant 0 : index
    %get3A_5 = vector.load %arg1[%get3A_3, %get3A_4] : memref<256x256xf32, #tpu.memory_space<vmem>>, vector<256x256xf32>
    %dot_general3A = arith.constant dense<0.000000e+00> : vector<4096x256xf32>
    %dot_general3A_6 = tpu.matmul %reshape3A, %get3A_5, %dot_general3A {dimension_numbers = #tpu.dot_dimension_numbers<[1], [0], [0], [1], [0, 0, 1, 1], [], []>, transpose_lhs_hint = false} : vector<4096x256xf32>, vector<256x256xf32>, vector<4096x256xf32> -> vector<4096x256xf32>
    %get3A_7 = arith.constant 0 : index
    %get3A_8 = vector.load %arg2[%get3A_7] : memref<256xf32, #tpu.memory_space<vmem>>, vector<256xf32>
    %broadcast_in_dim3A = vector.shape_cast %get3A_8 : vector<256xf32> to vector<1x256xf32>
    %add3A = vector.broadcast %broadcast_in_dim3A : vector<1x256xf32> to vector<4096x256xf32>
    %add3A_9 = arith.addf %dot_general3A_6, %add3A : vector<4096x256xf32>
    %reduce_sum3A = arith.constant dense<0.000000e+00> : vector<256xf32>
    %reduce_sum3A_10 = vector.multi_reduction <add>, %add3A_9, %reduce_sum3A [0] : vector<4096x256xf32> to vector<256xf32>
    %broadcast_in_dim3A_11 = vector.shape_cast %reduce_sum3A_10 : vector<256xf32> to vector<1x256xf32>
    %div3A = arith.constant 4.096000e+03 : f32
    %div3A_12 = vector.broadcast %div3A : f32 to vector<1x256xf32>
    %div3A_13 = arith.divf %broadcast_in_dim3A_11, %div3A_12 : vector<1x256xf32>
    %mul3A = arith.mulf %add3A_9, %add3A_9 : vector<4096x256xf32>
    %reduce_sum3A_14 = arith.constant dense<0.000000e+00> : vector<256xf32>
    %reduce_sum3A_15 = vector.multi_reduction <add>, %mul3A, %reduce_sum3A_14 [0] : vector<4096x256xf32> to vector<256xf32>
    %broadcast_in_dim3A_16 = vector.shape_cast %reduce_sum3A_15 : vector<256xf32> to vector<1x256xf32>
    %div3A_17 = arith.constant 4.096000e+03 : f32
    %div3A_18 = vector.broadcast %div3A_17 : f32 to vector<1x256xf32>
    %div3A_19 = arith.divf %broadcast_in_dim3A_16, %div3A_18 : vector<1x256xf32>
    %mul3A_20 = arith.mulf %div3A_13, %div3A_13 : vector<1x256xf32>
    %sub3A = arith.subf %div3A_19, %mul3A_20 : vector<1x256xf32>
    %sub3A_21 = vector.broadcast %div3A_13 : vector<1x256xf32> to vector<4096x256xf32>
    %sub3A_22 = arith.subf %add3A_9, %sub3A_21 : vector<4096x256xf32>
    %add3A_23 = arith.constant 9.99999974E-6 : f32
    %add3A_24 = vector.broadcast %add3A_23 : f32 to vector<1x256xf32>
    %add3A_25 = arith.addf %sub3A, %add3A_24 : vector<1x256xf32>
    %rsqrt3A = math.rsqrt %add3A_25 : vector<1x256xf32>
    %mul3A_26 = vector.broadcast %rsqrt3A : vector<1x256xf32> to vector<4096x256xf32>
    %mul3A_27 = arith.mulf %sub3A_22, %mul3A_26 : vector<4096x256xf32>
    %logistic3A = arith.negf %mul3A_27 : vector<4096x256xf32>
    %logistic3A_28 = math.exp %logistic3A : vector<4096x256xf32>
    %logistic3A_29 = arith.constant 1.000000e+00 : f32
    %logistic3A_30 = vector.broadcast %logistic3A_29 : f32 to vector<4096x256xf32>
    %logistic3A_31 = arith.addf %logistic3A_30, %logistic3A_28 : vector<4096x256xf32>
    %logistic3A_32 = arith.divf %logistic3A_30, %logistic3A_31 : vector<4096x256xf32>
    %mul3A_33 = arith.mulf %mul3A_27, %logistic3A_32 : vector<4096x256xf32>
    %reshape3A_34 = vector.shape_cast %mul3A_33 : vector<4096x256xf32> to vector<16x256x256xf32>
    %reduce_max3A = arith.constant dense<0xFF800000> : vector<16x256xf32>
    %reduce_max3A_35 = vector.multi_reduction <maximumf>, %reshape3A_34, %reduce_max3A [1] : vector<16x256x256xf32> to vector<16x256xf32>
    %broadcast_in_dim3A_36 = vector.shape_cast %reduce_max3A_35 : vector<16x256xf32> to vector<16x1x256xf32>
    %sub3A_37 = vector.broadcast %broadcast_in_dim3A_36 : vector<16x1x256xf32> to vector<16x256x256xf32>
    %sub3A_38 = arith.subf %reshape3A_34, %sub3A_37 : vector<16x256x256xf32>
    %exp3A = math.exp %sub3A_38 : vector<16x256x256xf32>
    %reduce_sum3A_39 = arith.constant dense<0.000000e+00> : vector<16x256xf32>
    %reduce_sum3A_40 = vector.multi_reduction <add>, %exp3A, %reduce_sum3A_39 [1] : vector<16x256x256xf32> to vector<16x256xf32>
    %broadcast_in_dim3A_41 = vector.shape_cast %reduce_sum3A_40 : vector<16x256xf32> to vector<16x1x256xf32>
    %div3A_42 = vector.broadcast %broadcast_in_dim3A_41 : vector<16x1x256xf32> to vector<16x256x256xf32>
    %div3A_43 = arith.divf %exp3A, %div3A_42 : vector<16x256x256xf32>
    %reshape3A_44 = vector.shape_cast %reshape3A : vector<4096x256xf32> to vector<16x256x256xf32>
    %mul3A_45 = arith.mulf %div3A_43, %reshape3A_44 : vector<16x256x256xf32>
    %reduce_sum3A_46 = arith.constant dense<0.000000e+00> : vector<16x256xf32>
    %reduce_sum3A_47 = vector.multi_reduction <add>, %mul3A_45, %reduce_sum3A_46 [1] : vector<16x256x256xf32> to vector<16x256xf32>
    %swap3A = arith.constant 0 : index
    %swap3A_48 = arith.constant 0 : index
    %swap3A_49 = vector.load %arg3[%swap3A, %swap3A_48] : memref<16x256xf32, #tpu.memory_space<vmem>>, vector<16x256xf32>
    tpu.vector_store %arg3[%swap3A, %swap3A_48], %reduce_sum3A_47 {strides = array<i32>} : memref<16x256xf32, #tpu.memory_space<vmem>>, vector<16x256xf32>,
    return
  }
}

</mosaic_0001>

<sc_bundles>
// kernel: gather_offload_async_start.1
scs
__scs_entry_jumppad:
0x0: {  	(pc) =	sbr.rel $0x88, $3  }
0x1: {  	(tag) =	ssettag $0x0;
	lr =	simm.s32 $0x1  }
0x2: {  	[smem:$0x3F92] =	sst lr;
	_ =	strace $0xD0000000  }
0x3: {  	_ = 	snop  }
0x4: {  	_ = 	snop  }
0x5: {  	_ = 	snop  }
0x6: {  	_ = 	snop  }
0x7: {  	_ = 	snop  }
__scs_overlays_trampoline_lowered:
0x8: {  	[smem:$0x3FA1] =	sst s0  }
0x9: {  	[smem:$0x3FA2] =	sst s1  }
0xa: {  	[smem:$0x3FA3] =	sst s2  }
0xb: {  	[smem:$0x3FA4] =	sst s3  }
0xc: {  	[smem:$0x3FA5] =	sst s4  }
0xd: {  	[smem:$0x3FA6] =	sst s5  }
0xe: {  	[smem:$0x3FA7] =	sst s6  }
0xf: {  	[smem:$0x3FA8] =	sst s7  }
0x10: {  	[smem:$0x3FA9] =	sst s8  }
0x11: {  	[smem:$0x3FAA] =	sst s9;
	s0 =	simm.s32 @!p0 $0x0  }
0x12: {  	s1 =	sld [smem:$0x3F90];
	s0 =	simm.s32 @p0 $0x1  }
0x13: {  	[smem:$0x3FAB] =	sst s0;
	s0 =	simm.s32 @!p1 $0x0  }
0x14: {  	s2 =	sld [smem:$0x3F8F];
	s0 =	simm.s32 @p1 $0x1  }
0x15: {  	[smem:$0x3FAC] =	sst s0;
	s0 =	simm.s32 @!p2 $0x0  }
0x16: {  	s3 =	sld [smem:$0x3FDB];
	s0 =	simm.s32 @p2 $0x1  }
0x17: {  	s4 =	simm.s32 $0x1BF5;
	[smem:$0x3FAE] =	sst s0  }
0x18: {  	s0 =	sld [smem:$0x3F91];
	_ =	swait.ge [sflag:s4], $0x0  }
0x19: {  	s7 =	sld [smem:$0x3F92]  }
0x1a: {  	s8 =	sadd.s32 $0xFFFFE003, lr  }
0x1b: {  	s9 =	sadd.s32 $0xFFFFFEF7, lr;
	s5 =	simm.s32 $0xFFFFFFFF;
	p2 =	slt.u32 s8, $0xFFFFF086  }
0x1c: {  	p1 =	slt.u32 s9, $0xF7A;
	s5 =	simm.s32 @!p2 $0x0  }
0x1d: {  	s5 =	simm.s32 @p1 $0x1;
	p0 =	seq.s32 s7, s2  }
0x1e: {  	s7 =	smul.u32 @!p0 $0xF7A, s2;
	p2 =	seq.s32 @!p0 s5, $0x0  }
0x1f: {  	s9 =	smul.u32 $0xF7A, s1;
	s8 =	simm.s32 @!p0 $0x1BF5;
	p2 =	por !p2, p0  }
0x20: {  	[sflag:s8] =	ssyncset.s32 @!p0 $0xFFFFF086;
	s6 =	sadd.s32 @!p0 s3, s7;
	s7 =	simm.s32 @!p0 $0x108  }
0x21: {  	s3 =	sadd.s32 s3, s9;
	s6 =	sadd.s32 @!p0 $0x88, s6;
	s7 =	simm.s32 @p2 $0x1082  }
0x22: {  	[simem:s7], [sflag:s8] =	dma.local @!p0 [hbm:s6], $0xF7A  }
0x23: {  	s9 =	sor.u32 $0xD0000000, s2;
	s6 =	simm.s32 $0x108;
	_ =	swait.ge @!p0 [sflag:s8], $0x0  }
0x24: {  	s3 =	sadd.s32 $0x88, s3;
	s6 =	simm.s32 @!p1 $0x1082;
	[sflag:s4] =	ssyncset.s32 $0xFFFFF086  }
0x25: {  	[simem:s6], [sflag:s4] =	dma.local [hbm:s3], $0xF7A  }
0x26: {  	[smem:$0x3F92] =	sst s1;
	(tag) =	ssettag s2;
	_ =	strace s9  }
0x27: {  	s1 =	sld [smem:$0x3FA2]  }
0x28: {  	s2 =	sld [smem:$0x3FA3]  }
0x29: {  	s4 =	sld [smem:$0x3FA5]  }
0x2a: {  	p0 =	seq.s32 s5, $0x0;
	s5 =	sld [smem:$0x3FA6]  }
0x2b: {  	s6 =	sld [smem:$0x3FA7]  }
0x2c: {  	s7 =	sld [smem:$0x3FA8]  }
0x2d: {  	s3 =	simm.s32 $0x108;
	s8 =	sld [smem:$0x3FA9]  }
0x2e: {  	s3 =	simm.s32 @!p0 $0x1082;
	s9 =	sld [smem:$0x3FAA]  }
0x2f: {  	lr =	sadd.s32 s0, s3;
	s0 =	sld [smem:$0x3FA1]  }
0x30: {  	s3 =	sld [smem:$0x3FA4]  }
0x31: {  	[smem:$0x3FAD] =	sst s10  }
0x32: {  	s10 =	sld [smem:$0x3FAB];
	_ =	sdelay $0x3  }
0x33: {  	p0 =	seq.s32 s10, $0x1;
	s10 =	sld [smem:$0x3FAD];
	_ =	sdelay $0x3  }
0x34: {  	[smem:$0x3FAD] =	sst s10  }
0x35: {  	s10 =	sld [smem:$0x3FAC];
	_ =	sdelay $0x3  }
0x36: {  	p1 =	seq.s32 s10, $0x1;
	s10 =	sld [smem:$0x3FAD];
	_ =	sdelay $0x3  }
0x37: {  	[smem:$0x3FAD] =	sst s10  }
0x38: {  	s10 =	sld [smem:$0x3FAE]  }
0x39: {  	_ = 	snop;
	(pc) =	sbr.ind lr, $3  }
0x3a: {  	_ = 	snop  }
0x3b: {  	_ = 	snop  }
0x3c: {  	p2 =	seq.s32 s10, $0x1;
	s10 =	sld [smem:$0x3FAD]  }
0x3d: {  	_ =	shalt  }
0x3e: {  	_ =	shalt  }
0x3f: {  	_ =	shalt  }
0x40: {  	_ =	shalt  }
0x41: {  	_ =	shalt  }
0x42: {  	_ =	shalt  }
0x43: {  	_ =	shalt  }
0x44: {  	_ =	shalt  }
0x45: {  	_ =	shalt  }
0x46: {  	_ =	shalt  }
0x47: {  	_ =	shalt  }
0x48: {  	_ =	shalt  }
0x49: {  	_ =	shalt  }
0x4a: {  	_ =	shalt  }
0x4b: {  	_ =	shalt  }
0x4c: {  	_ =	shalt  }
0x4d: {  	_ =	shalt  }
0x4e: {  	_ =	shalt  }
0x4f: {  	_ =	shalt  }
0x50: {  	_ =	shalt  }
0x51: {  	_ =	shalt  }
0x52: {  	_ =	shalt  }
0x53: {  	_ =	shalt  }
0x54: {  	_ =	shalt  }
0x55: {  	_ =	shalt  }
0x56: {  	_ =	shalt  }
0x57: {  	_ =	shalt  }
0x58: {  	_ =	shalt  }
0x59: {  	_ =	shalt  }
0x5a: {  	_ =	shalt  }
0x5b: {  	_ =	shalt  }
0x5c: {  	_ =	shalt  }
0x5d: {  	_ =	shalt  }
0x5e: {  	_ =	shalt  }
0x5f: {  	_ =	shalt  }
0x60: {  	_ =	shalt  }
0x61: {  	_ =	shalt  }
0x62: {  	_ =	shalt  }
0x63: {  	_ =	shalt  }
0x64: {  	_ =	shalt  }
0x65: {  	_ =	shalt  }
0x66: {  	_ =	shalt  }
0x67: {  	_ =	shalt  }
0x68: {  	_ =	shalt  }
0x69: {  	_ =	shalt  }
0x6a: {  	_ =	shalt  }
0x6b: {  	_ =	shalt  }
0x6c: {  	_ =	shalt  }
0x6d: {  	_ =	shalt  }
0x6e: {  	_ =	shalt  }
0x6f: {  	_ =	shalt  }
0x70: {  	_ =	shalt  }
0x71: {  	_ =	shalt  }
0x72: {  	_ =	shalt  }
0x73: {  	_ =	shalt  }
0x74: {  	_ =	shalt  }
0x75: {  	_ =	shalt  }
0x76: {  	_ =	shalt  }
0x77: {  	_ =	shalt  }
0x78: {  	_ =	shalt  }
0x79: {  	_ =	shalt  }
0x7a: {  	_ =	shalt  }
0x7b: {  	_ =	shalt  }
0x7c: {  	_ =	shalt  }
0x7d: {  	_ =	shalt  }
0x7e: {  	_ =	shalt  }
0x7f: {  	_ =	shalt  }
0x80: {  	_ =	shalt  }
0x81: {  	_ =	shalt  }
0x82: {  	_ =	shalt  }
0x83: {  	_ =	shalt  }
0x84: {  	_ =	shalt  }
0x85: {  	_ =	shalt  }
0x86: {  	_ =	shalt  }
0x87: {  	_ =	shalt  }
.Lfunc_end0:
.L_simem_size_0:
called_computation.3_lowered:
.L_overlay_start_0:
0x88: {  	s2 =	sld [smem:$0x3FD9]  }
0x89: {  	s3 =	sld [smem:$0x3FFE];
	_ =	sdelay $0x1  }
0x8a: {  	s1 =	srdreg.scid  }
0x8b: {  	s0 =	sand.u32 $0x1, s1  }
0x8c: {  	s17 =	sshll.u32 s0, $0xA;
	s2 =	sadd.s32 s3, s2  }
0x8d: {  	s2 =	sadd.s32 s2, s17  }
0x8e: {  	[smem:$0x3FB9] =	sst s2  }
0x8f: {  	_ = 	snop  }
0x90: {  	s2 =	sld [smem:$0x3FD0];
	(tm) =	ssettm $0x1  }
0x91: {  	s18 =	sld [smem:$0x3FFB];
	_ =	sdelay $0x3  }
0x92: {  	_ =	strace s18  }
0x93: {  	s3 =	sld [smem:$0x3FFC];
	_ =	sdelay $0x3  }
0x94: {  	_ =	strace s3  }
0x95: {  	s3 =	sld [smem:$0x3FFD];
	_ =	sdelay $0x3  }
0x96: {  	_ =	strace s3  }
0x97: {  	_ =	strace $0x8FFFFFFF  }
0x98: {  	s19 =	sld [smem:$0x3FDB];
	_ =	sdelay $0x1  }
0x99: {  	s4 =	simm.s32 $_scs_section_size  }
0x9a: {  	s5 =	simm.s32 $_size__tile_overlayer_lowered;
	s6 =	simm.s32 $_tile_overlayer_lowered  }
0x9b: {  	s22 =	simm.s32 $0x1BFF;
	s21 =	sshll.u32 s6, $0x1;
	s3 =	sadd.s32 s4, s19  }
0x9c: {  	s7 =	simm.s32 $0x0;
	s20 =	sshll.u32 s5, $0x1;
	s5 =	sadd.s32 s21, s3  }
0x9d: {  	[timem:s7], [sflag:s22] =	dma.local [hbm:s5], s20  }
0x9e: {  	_ =	swait.ge [sflag:s22], s20  }
0x9f: {  	s4 =	ssub.s32 $0x0, s20;
	[sflag:s22] =	ssyncset.done $0x0  }
0xa0: {  	[sflag:s22] =	ssyncadd.s32 s4;
	_ =	sdelay $0x1  }
0xa1: {  	s23 =	simm.s32 $0x1B8B  }
0xa2: {  	_ =	swait.ge [sflag:s23], $0x1  }
0xa3: {  	[sflag:s23] =	ssyncset.done $0x0  }
0xa4: {  	s25 =	simm.s32 $0x1B8E;
	s24 =	sld [smem:$0x3FFE];
	[sflag:s23] =	ssyncadd.s32 $0xFFFFFFFF  }
0xa5: {  	s26 =	simm.s32 $execute0_lowered;
	[smem:$0x3FD2] =	sst s25  }
0xa6: {  	s5 =	sshll.u32 s26, $0x1;
	_ =	strace $0x80000049;
	[dreg:$0x1] =	wrdreg $0xFFFFFFFF  }
0xa7: {  	s28 =	simm.s32 $_size_execute0_lowered;
	s3 =	sadd.s32 s3, s5;
	[dreg:$0x0] =	wrdreg $0x0  }
0xa8: {  	s5 =	sshll.u32 s28, $0x1;
	[dreg:$0x2] =	wrdreg s3  }
0xa9: {  	[dreg:$0x3] =	wrdreg s5  }
0xaa: {  	[dreg:$0x4] =	wrdreg $0xC0  }
0xab: {  	_ =	task [dreg:s7], $0x5FFFF  }
0xac: {  	[dreg:$0x1] =	wrdreg $0xFFFFFFFF  }
0xad: {  	[dreg:$0x0] =	wrdreg $0x60  }
0xae: {  	[dreg:$0x2] =	wrdreg s24  }
0xaf: {  	[dreg:$0x3] =	wrdreg s2  }
0xb0: {  	[dreg:$0x4] =	wrdreg $0xA  }
0xb1: {  	_ =	task.clear_ibuf [dreg:s7], $0x5FFFF;
	_ =	strace $0x90000049  }
0xb2: {  	s29 =	simm.s32 $0xA;
	_ =	strace $0x8000004B  }
0xb3: {  	_ =	swait.ge [sflag:s29], $0x1  }
0xb4: {  	[sflag:s29] =	ssyncadd.s32 $0xFFFFFFFF  }
0xb5: {  	_ =	strace $0x9000004B  }
0xb6: {  	_ =	sfence  }
0xb7: {  	s30 =	sld [smem:$0x0];
	_ =	sdelay $0x2  }
0xb8: {  	s31 =	sshll.u32 s1, $0xD;
	s1 =	sshrl.u32 s1, $0x2  }
0xb9: {  	s3 =	sand.u32 $0x4000, s31;
	s1 =	sadd.s32 s1, s30  }
0xba: {  	s0 =	sor.u32 s3, s0;
	s1 =	sshll.u32 s1, $0x11  }
0xbb: {  	s0 =	sor.u32 s1, s0  }
0xbc: {  	s0 =	sadd.s32 $0x8F2B, s0  }
0xbd: {  	[sflag:s0] =	ssyncadd.remote.s32 $0x1  }
0xbe: {  	_ =	sfence.sel $0xFFFF  }
0xbf: {  	[dreg:$0x0] =	wrdreg $0xFFFFFFFF;
	(pc) =	sbr.abs _section_cstart, $3  }
0xc0: {  	[dreg:$0x1] =	wrdreg $0xFFFFFFFF  }
0xc1: {  	_ =	task.clear_ibuf [dreg:s7], $0x2FFFF;
	_ =	strace $0x9FFFFFFF  }
0xc2: {  	(tm) =	ssettm $0x7FFFFFFF  }
0xc3: {  	_ =	shalt  }
tec
execute0_lowered:
.L_overlay_start_1:
0x0: {  	(tag) =	ssettag $0x1  }
0x1: {  	s7 =	rddreg [dreg:$0x0]  }
0x2: {  	s2 =	rddreg [dreg:$0x1]  }
0x3: {  	s0 =	rddreg [dreg:$0x2]  }
0x4: {  	s1 =	srdreg.scid;
	_ =	strace $0x8000004A;
	s4 =	simm.s32 $0x1  }
0x5: {  	s9 =	simm.s32 $0x3;
	s12 =	simm.s32 $0x0;
	s5 =	sshll.u32 s1, $0x4  }
.Ltmp0:
0x6: {  	s1 =	stileid.u32;
	s5 =	sand.u32 $0x10, s5;
	(pc) =	sbr.rel .LBB2_1-.Ltmp0, $4  }
0x7: {  	s10 =	simm.s32 $0x0;
	s3 =	sadd.s32 $0x40400, s7;
	s6 =	sor.u32 s1, s5  }
0x8: {  	[sflag:s4] =	ssyncpa.u1 $0x0;
	s5 =	simm.s32 $0x2;
	s6 =	sshll.u32 s6, $0x7  }
0x9: {  	s7 =	sadd.s32 $0x60400, s7;
	[sflag:s5] =	ssyncpa.u1 $0x0;
	s8 =	sadd.s32 $0x80, s6  }
0xa: {  	vm0 =	vmmov $0xff;
	vm1 =	vcmask $0x3F20;
	[sflag:s9] =	ssyncpa.u1 $0x0;
	s9 =	simm.s32 $0x80;
	s11 =	smov.u32 s6  }
.LBB2_9:
0xb: {  	p0 =	seq.s32 s10, $0x2  }
.Ltmp1:
0xc: {  	_ = 	snop;
	(pc) =	sbr.rel @p0 .LBB2_11-.Ltmp1, $1  }
0xd: {  	_ =	sdelay $0x3  }
.LBB2_10:
0xe: {  	s12 =	sadd.s32 $0x80, s11  }
0xf: {  	s13 =	smov.u32 s6;
	p0 =	slt.s32 s12, s8  }
0x10: {  	s13 =	smov.u32 @p0 s12  }
0x11: {  	s10 =	sadd.s32 $0x1, s10;
	s12 =	smov.u32 s11;
	s11 =	smov.u32 s13  }
.LBB2_1:
0x12: {  	p0 =	sne.s32 s10, $0x0  }
.Ltmp2:
0x13: {  	_ = 	snop;
	(pc) =	sbr.rel @!p0 .LBB2_2-.Ltmp2, $1  }
0x14: {  	_ =	sdelay $0x3  }
0x15: {  	s13 =	sand.u32 $0x1, s10  }
0x16: {  	p0 =	seq.s32 s13, $0x0  }
.Ltmp3:
0x17: {  	_ = 	snop;
	(pc) =	sbr.rel @p0 .LBB2_9-.Ltmp3, $1  }
0x18: {  	_ =	sdelay $0x3  }
0x19: {  	_ =	swait.ge [sflag:s5], $0x80  }
0x1a: {  	[sflag:s5] =	ssyncset.done $0x0  }
0x1b: {  	s13 =	simm.s32 $0x0;
	[sflag:s5] =	ssyncadd.s32 $0xFFFFFF80  }
0x1c: {  	v0 =	vld.msk [tilespmem:s13+$0x80 ss:$0x1], $0xffff;
	_ =	sdelay $0x4  }
0x1d: {  	v1 =	vshll.u32 v0, $0x3  }
0x1e: {  	vm2 =	veq.s32 v0, $0x80000000;
	v0 =	vshll.u32 v0, $0x10;
	v1 =	vand.u32 $0xFF80, v1  }
0x1f: {  	v0 =	vand.u32 $0xF0000, v0;
	v1 =	vsel vm2, $0xFFFFFF80, v1  }
0x20: {  	v0 =	vsel vm2, $0xFFFF0000, v0;
	v2 =	vand.u32 $0xFFFFFC00, v1  }
0x21: {  	v1 =	vand.u32 $0x380, v1;
	v0 =	vadd.s32 v0, v2  }
0x22: {  	v0 =	vor.u32 v1, v0  }
0x23: {  	v0 =	vshrl.u32 v0, $0x3;
	_ =	sdelay $0x3  }
0x24: {  	s13 =	simm.s32 $0x4100  }
0x25: {  	[tilespmem:s13], [sflag:$0x1] =	stream.indirect_vreg.gather [hbm:s3], $0x80, v0, vm0, $0x38;
	[tilespmem:$0x8100] =	vst v63  }
0x26: {  	s14 =	simm.s32 $0x4500;
	s31 =	simm.s32 $0x10  }
0x27: {  	[tilespmem:s14], [sflag:$0x1] =	stream.indirect_vreg.gather [hbm:s3], $0x80, v0, vm1, $0x38;
	[tilespmem:$0x8100] =	vst v63  }
0x28: {  	s14 =	simm.s32 $0x80;
	v0 =	vld.msk [tilespmem:s31+$0x80 ss:$0x1], $0xffff  }
.LBB2_5:
0x29: {  	p0 =	sne.s32 s14, $0x1C0;
	_ =	sdelay $0x4  }
0x2a: {  	v1 =	vshll.u32 v0, $0x3  }
0x2b: {  	vm2 =	veq.s32 v0, $0x80000000;
	v0 =	vshll.u32 v0, $0x10;
	v1 =	vand.u32 $0xFF80, v1  }
0x2c: {  	v0 =	vand.u32 $0xF0000, v0;
	v1 =	vsel vm2, $0xFFFFFF80, v1  }
0x2d: {  	v0 =	vsel vm2, $0xFFFF0000, v0;
	v2 =	vand.u32 $0xFFFFFC00, v1  }
0x2e: {  	v1 =	vand.u32 $0x380, v1;
	v0 =	vadd.s32 v0, v2  }
0x2f: {  	v0 =	vor.u32 v1, v0  }
0x30: {  	v0 =	vshrl.u32 v0, $0x3;
	_ =	sdelay $0x3  }
.Ltmp4:
0x31: {  	s13 =	sadd.s32 $0x800, s13;
	(pc) =	sbr.rel @p0 .LBB2_5-.Ltmp4, $4  }
0x32: {  	[tilespmem:s13], [sflag:$0x1] =	stream.indirect_vreg.gather [hbm:s3], $0x80, v0, vm0, $0x38;
	[tilespmem:$0x8100] =	vst v63  }
0x33: {  	s15 =	sshra.s32 s14, $0x2;
	s16 =	sadd.s32 $0x400, s13  }
0x34: {  	[tilespmem:s16], [sflag:$0x1] =	stream.indirect_vreg.gather [hbm:s3], $0x80, v0, vm1, $0x38;
	[tilespmem:$0x8100] =	vst v63  }
0x35: {  	s14 =	sadd.s32 $0x40, s14;
	v0 =	vld.msk [tilespmem:s15+$0x80 ss:$0x1], $0xffff  }
0x36: {  	_ =	sdelay $0x3  }
0x37: {  	v1 =	vshll.u32 v0, $0x3  }
0x38: {  	vm2 =	veq.s32 v0, $0x80000000;
	v63 =	vshll.u32 v0, $0x10;
	v1 =	vand.u32 $0xFF80, v1  }
0x39: {  	v0 =	vand.u32 $0xF0000, v63;
	v1 =	vsel vm2, $0xFFFFFF80, v1  }
0x3a: {  	v0 =	vsel vm2, $0xFFFF0000, v0;
	v2 =	vand.u32 $0xFFFFFC00, v1  }
0x3b: {  	v1 =	vand.u32 $0x380, v1;
	v0 =	vadd.s32 v0, v2  }
0x3c: {  	v0 =	vor.u32 v1, v0  }
0x3d: {  	v0 =	vshrl.u32 v0, $0x3;
	_ =	sdelay $0x3  }
0x3e: {  	s13 =	sadd.s32 $0x800, s13  }
0x3f: {  	[tilespmem:s13], [sflag:$0x1] =	stream.indirect_vreg.gather [hbm:s3], $0x80, v0, vm0, $0x38;
	[tilespmem:$0x8100] =	vst v63  }
0x40: {  	s13 =	sadd.s32 $0x400, s13  }
0x41: {  	[tilespmem:s13], [sflag:$0x1] =	stream.indirect_vreg.gather [hbm:s3], $0x80, v0, vm1, $0x38;
	[tilespmem:$0x8100] =	vst v63  }
0x42: {  	s12 =	sshll.u32 s12, $0x4;
	s14 =	simm.s32 $0x80;
	_ =	swait.ge [sflag:s4], $0x4000  }
0x43: {  	s15 =	simm.s32 $0x4500;
	s12 =	sadd.s32 s12, s7;
	[sflag:s4] =	ssyncset.done $0x0  }
0x44: {  	s16 =	sadd.s32 $0x0, s12;
	s13 =	simm.s32 $0x4100;
	[sflag:s4] =	ssyncadd.s32 $0xFFFFC000  }
.LBB2_7:
0x45: {  	[hbm:s16] =	stream.linear.scatter [tilespmem:s13], [sflag:$0x3], $0x400, $0x38;
	[tilespmem:$0x8100] =	vst v63  }
0x46: {  	s16 =	smov.u32 s14;
	s13 =	smov.u32 s15;
	p0 =	sne.s32 s14, $0x780  }
.Ltmp5:
0x47: {  	s14 =	sadd.s32 $0x80, s14;
	(pc) =	sbr.rel @p0 .LBB2_7-.Ltmp5, $2  }
0x48: {  	_ =	sdelay $0x2  }
0x49: {  	s15 =	sadd.s32 $0x400, s15;
	s16 =	sadd.s32 s16, s12  }
.Ltmp6:
0x4a: {  	(pc) =	sbr.rel .LBB2_9-.Ltmp6, $2  }
0x4b: {  	_ =	sdelay $0x2  }
0x4c: {  	[hbm:s16] =	stream.linear.scatter [tilespmem:s13], [sflag:$0x3], $0x400, $0x38;
	[tilespmem:$0x8100] =	vst v63  }
.LBB2_2:
.Ltmp7:
0x4d: {  	(pc) =	sbr.rel .LBB2_10-.Ltmp7, $4  }
0x4e: {  	_ = 	snop  }
0x4f: {  	s12 =	sshrl.u32 s11, $0x3  }
0x50: {  	s13 =	sand.u32 $0x7, s11;
	s12 =	sadd.s32 s2, s12  }
0x51: {  	[tilespmem:s9], [sflag:$0x2] =	stream.linear.gather [hbm4b:s12+s13], $0x80, $0x38;
	[tilespmem:$0x8100] =	vst v63  }
.LBB2_11:
0x52: {  	s2 =	simm.s32 $0x3  }
0x53: {  	_ =	swait.ge [sflag:s2], $0x4000  }
0x54: {  	[sflag:s2] =	ssyncset.done $0x0  }
0x55: {  	[sflag:s2] =	ssyncadd.s32 $0xFFFFC000  }
0x56: {  	_ =	sfence.sel $0x180000  }
0x57: {  	s3 =	simm.s32 $0x2;
	[bflag:$0x0] =	sbarrier.arrive $0xFFFF  }
0x58: {  	[sflag:s3] =	ssyncpa.u1 $0x1  }
0x59: {  	s31 =	simm.s32 $0x1;
	[sflag:s2] =	ssyncpa.u1 $0x1  }
0x5a: {  	[sflag:s31] =	ssyncpa.u1 $0x1  }
0x5b: {  	p0 =	sne.s32 s1, $0x0;
	_ =	strace $0x9000004A  }
0x5c: {  	s0 =	sadd.s32 @!p0 $0x100000, s0;
	[bflag:$0x2] =	sbarrier.arrive $0xFFFF  }
0x5d: {  	[sflag:s0] =	ssyncadd.tile.s32 @!p0 $0x1;
	_ =	shalt  }
.Lfunc_end2:
_tile_overlayer_lowered:
.L_overlay_start_2:
0x5e: {  	(tag) =	ssettag $0x2  }
0x5f: {  	s0 =	rddreg [dreg:$0x0];
	s2 =	stileid.u32  }
0x60: {  	s1 =	rddreg [dreg:$0x1];
	p0 =	sne.s32 s2, $0x0  }
0x61: {  	s3 =	rddreg [dreg:$0x2];
	[bflag:$0x3] =	sbarrier.arrive $0xFFFF;
	s2 =	simm.s32 @!p0 $0x1C01  }
0x62: {  	[timem:s3], [sflag:s2] =	dma.local @!p0 [hbm:s0], s1  }
0x63: {  	s0 =	simm.s32 @!p0 $0x1  }
0x64: {  	_ =	swait.ge @!p0 [sflag:s0], s1  }
0x65: {  	s1 =	ssub.s32 @!p0 $0x0, s1;
	[sflag:s0] =	ssyncset.done @!p0 $0x0  }
0x66: {  	[sflag:s0] =	ssyncadd.s32 @!p0 s1  }
0x67: {  	[bflag:$0x3] =	sbarrier.arrive $0xFFFF  }
0x68: {  	_ =	shalt  }

// kernel: gather_offload_async_start
scs
__scs_entry_jumppad:
0x0: {  	(pc) =	sbr.rel $0x88, $3  }
0x1: {  	(tag) =	ssettag $0x0;
	lr =	simm.s32 $0x1  }
0x2: {  	[smem:$0x3F92] =	sst lr;
	_ =	strace $0xD0000000  }
0x3: {  	_ = 	snop  }
0x4: {  	_ = 	snop  }
0x5: {  	_ = 	snop  }
0x6: {  	_ = 	snop  }
0x7: {  	_ = 	snop  }
__scs_overlays_trampoline_lowered:
0x8: {  	[smem:$0x3FA1] =	sst s0  }
0x9: {  	[smem:$0x3FA2] =	sst s1  }
0xa: {  	[smem:$0x3FA3] =	sst s2  }
0xb: {  	[smem:$0x3FA4] =	sst s3  }
0xc: {  	[smem:$0x3FA5] =	sst s4  }
0xd: {  	[smem:$0x3FA6] =	sst s5  }
0xe: {  	[smem:$0x3FA7] =	sst s6  }
0xf: {  	[smem:$0x3FA8] =	sst s7  }
0x10: {  	[smem:$0x3FA9] =	sst s8  }
0x11: {  	[smem:$0x3FAA] =	sst s9;
	s0 =	simm.s32 @!p0 $0x0  }
0x12: {  	s1 =	sld [smem:$0x3F90];
	s0 =	simm.s32 @p0 $0x1  }
0x13: {  	[smem:$0x3FAB] =	sst s0;
	s0 =	simm.s32 @!p1 $0x0  }
0x14: {  	s2 =	sld [smem:$0x3F8F];
	s0 =	simm.s32 @p1 $0x1  }
0x15: {  	[smem:$0x3FAC] =	sst s0;
	s0 =	simm.s32 @!p2 $0x0  }
0x16: {  	s3 =	sld [smem:$0x3FDB];
	s0 =	simm.s32 @p2 $0x1  }
0x17: {  	s4 =	simm.s32 $0x1BF5;
	[smem:$0x3FAE] =	sst s0  }
0x18: {  	s0 =	sld [smem:$0x3F91];
	_ =	swait.ge [sflag:s4], $0x0  }
0x19: {  	s7 =	sld [smem:$0x3F92]  }
0x1a: {  	s8 =	sadd.s32 $0xFFFFE003, lr  }
0x1b: {  	s9 =	sadd.s32 $0xFFFFFEF7, lr;
	s5 =	simm.s32 $0xFFFFFFFF;
	p2 =	slt.u32 s8, $0xFFFFF086  }
0x1c: {  	p1 =	slt.u32 s9, $0xF7A;
	s5 =	simm.s32 @!p2 $0x0  }
0x1d: {  	s5 =	simm.s32 @p1 $0x1;
	p0 =	seq.s32 s7, s2  }
0x1e: {  	s7 =	smul.u32 @!p0 $0xF7A, s2;
	p2 =	seq.s32 @!p0 s5, $0x0  }
0x1f: {  	s9 =	smul.u32 $0xF7A, s1;
	s8 =	simm.s32 @!p0 $0x1BF5;
	p2 =	por !p2, p0  }
0x20: {  	[sflag:s8] =	ssyncset.s32 @!p0 $0xFFFFF086;
	s6 =	sadd.s32 @!p0 s3, s7;
	s7 =	simm.s32 @!p0 $0x108  }
0x21: {  	s3 =	sadd.s32 s3, s9;
	s6 =	sadd.s32 @!p0 $0x88, s6;
	s7 =	simm.s32 @p2 $0x1082  }
0x22: {  	[simem:s7], [sflag:s8] =	dma.local @!p0 [hbm:s6], $0xF7A  }
0x23: {  	s9 =	sor.u32 $0xD0000000, s2;
	s6 =	simm.s32 $0x108;
	_ =	swait.ge @!p0 [sflag:s8], $0x0  }
0x24: {  	s3 =	sadd.s32 $0x88, s3;
	s6 =	simm.s32 @!p1 $0x1082;
	[sflag:s4] =	ssyncset.s32 $0xFFFFF086  }
0x25: {  	[simem:s6], [sflag:s4] =	dma.local [hbm:s3], $0xF7A  }
0x26: {  	[smem:$0x3F92] =	sst s1;
	(tag) =	ssettag s2;
	_ =	strace s9  }
0x27: {  	s1 =	sld [smem:$0x3FA2]  }
0x28: {  	s2 =	sld [smem:$0x3FA3]  }
0x29: {  	s4 =	sld [smem:$0x3FA5]  }
0x2a: {  	p0 =	seq.s32 s5, $0x0;
	s5 =	sld [smem:$0x3FA6]  }
0x2b: {  	s6 =	sld [smem:$0x3FA7]  }
0x2c: {  	s7 =	sld [smem:$0x3FA8]  }
0x2d: {  	s3 =	simm.s32 $0x108;
	s8 =	sld [smem:$0x3FA9]  }
0x2e: {  	s3 =	simm.s32 @!p0 $0x1082;
	s9 =	sld [smem:$0x3FAA]  }
0x2f: {  	lr =	sadd.s32 s0, s3;
	s0 =	sld [smem:$0x3FA1]  }
0x30: {  	s3 =	sld [smem:$0x3FA4]  }
0x31: {  	[smem:$0x3FAD] =	sst s10  }
0x32: {  	s10 =	sld [smem:$0x3FAB];
	_ =	sdelay $0x3  }
0x33: {  	p0 =	seq.s32 s10, $0x1;
	s10 =	sld [smem:$0x3FAD];
	_ =	sdelay $0x3  }
0x34: {  	[smem:$0x3FAD] =	sst s10  }
0x35: {  	s10 =	sld [smem:$0x3FAC];
	_ =	sdelay $0x3  }
0x36: {  	p1 =	seq.s32 s10, $0x1;
	s10 =	sld [smem:$0x3FAD];
	_ =	sdelay $0x3  }
0x37: {  	[smem:$0x3FAD] =	sst s10  }
0x38: {  	s10 =	sld [smem:$0x3FAE]  }
0x39: {  	_ = 	snop;
	(pc) =	sbr.ind lr, $3  }
0x3a: {  	_ = 	snop  }
0x3b: {  	_ = 	snop  }
0x3c: {  	p2 =	seq.s32 s10, $0x1;
	s10 =	sld [smem:$0x3FAD]  }
0x3d: {  	_ =	shalt  }
0x3e: {  	_ =	shalt  }
0x3f: {  	_ =	shalt  }
0x40: {  	_ =	shalt  }
0x41: {  	_ =	shalt  }
0x42: {  	_ =	shalt  }
0x43: {  	_ =	shalt  }
0x44: {  	_ =	shalt  }
0x45: {  	_ =	shalt  }
0x46: {  	_ =	shalt  }
0x47: {  	_ =	shalt  }
0x48: {  	_ =	shalt  }
0x49: {  	_ =	shalt  }
0x4a: {  	_ =	shalt  }
0x4b: {  	_ =	shalt  }
0x4c: {  	_ =	shalt  }
0x4d: {  	_ =	shalt  }
0x4e: {  	_ =	shalt  }
0x4f: {  	_ =	shalt  }
0x50: {  	_ =	shalt  }
0x51: {  	_ =	shalt  }
0x52: {  	_ =	shalt  }
0x53: {  	_ =	shalt  }
0x54: {  	_ =	shalt  }
0x55: {  	_ =	shalt  }
0x56: {  	_ =	shalt  }
0x57: {  	_ =	shalt  }
0x58: {  	_ =	shalt  }
0x59: {  	_ =	shalt  }
0x5a: {  	_ =	shalt  }
0x5b: {  	_ =	shalt  }
0x5c: {  	_ =	shalt  }
0x5d: {  	_ =	shalt  }
0x5e: {  	_ =	shalt  }
0x5f: {  	_ =	shalt  }
0x60: {  	_ =	shalt  }
0x61: {  	_ =	shalt  }
0x62: {  	_ =	shalt  }
0x63: {  	_ =	shalt  }
0x64: {  	_ =	shalt  }
0x65: {  	_ =	shalt  }
0x66: {  	_ =	shalt  }
0x67: {  	_ =	shalt  }
0x68: {  	_ =	shalt  }
0x69: {  	_ =	shalt  }
0x6a: {  	_ =	shalt  }
0x6b: {  	_ =	shalt  }
0x6c: {  	_ =	shalt  }
0x6d: {  	_ =	shalt  }
0x6e: {  	_ =	shalt  }
0x6f: {  	_ =	shalt  }
0x70: {  	_ =	shalt  }
0x71: {  	_ =	shalt  }
0x72: {  	_ =	shalt  }
0x73: {  	_ =	shalt  }
0x74: {  	_ =	shalt  }
0x75: {  	_ =	shalt  }
0x76: {  	_ =	shalt  }
0x77: {  	_ =	shalt  }
0x78: {  	_ =	shalt  }
0x79: {  	_ =	shalt  }
0x7a: {  	_ =	shalt  }
0x7b: {  	_ =	shalt  }
0x7c: {  	_ =	shalt  }
0x7d: {  	_ =	shalt  }
0x7e: {  	_ =	shalt  }
0x7f: {  	_ =	shalt  }
0x80: {  	_ =	shalt  }
0x81: {  	_ =	shalt  }
0x82: {  	_ =	shalt  }
0x83: {  	_ =	shalt  }
0x84: {  	_ =	shalt  }
0x85: {  	_ =	shalt  }
0x86: {  	_ =	shalt  }
0x87: {  	_ =	shalt  }
.Lfunc_end0:
.L_simem_size_0:
called_computation.2_lowered:
.L_overlay_start_0:
0x88: {  	s2 =	sld [smem:$0x3FD9]  }
0x89: {  	s3 =	sld [smem:$0x3FFE];
	_ =	sdelay $0x1  }
0x8a: {  	s1 =	srdreg.scid  }
0x8b: {  	s0 =	sand.u32 $0x1, s1  }
0x8c: {  	s16 =	sshll.u32 s0, $0xA;
	s2 =	sadd.s32 s3, s2  }
0x8d: {  	s2 =	sadd.s32 s2, s16  }
0x8e: {  	[smem:$0x3FB9] =	sst s2  }
0x8f: {  	_ = 	snop  }
0x90: {  	(tm) =	ssettm $0x1  }
0x91: {  	s17 =	sld [smem:$0x3FFB];
	_ =	sdelay $0x3  }
0x92: {  	_ =	strace s17  }
0x93: {  	s2 =	sld [smem:$0x3FFC];
	_ =	sdelay $0x3  }
0x94: {  	_ =	strace s2  }
0x95: {  	s2 =	sld [smem:$0x3FFD];
	_ =	sdelay $0x3  }
0x96: {  	_ =	strace s2  }
0x97: {  	_ =	strace $0x8FFFFFFF  }
0x98: {  	s18 =	sld [smem:$0x3FDB];
	_ =	sdelay $0x1  }
0x99: {  	s19 =	simm.s32 $_scs_section_size  }
0x9a: {  	s4 =	simm.s32 $_size__tile_overlayer_lowered;
	s5 =	simm.s32 $_tile_overlayer_lowered  }
0x9b: {  	s22 =	simm.s32 $0x1BFF;
	s21 =	sshll.u32 s5, $0x1;
	s2 =	sadd.s32 s19, s18  }
0x9c: {  	s6 =	simm.s32 $0x0;
	s20 =	sshll.u32 s4, $0x1;
	s4 =	sadd.s32 s21, s2  }
0x9d: {  	[timem:s6], [sflag:s22] =	dma.local [hbm:s4], s20  }
0x9e: {  	_ =	swait.ge [sflag:s22], s20  }
0x9f: {  	s3 =	ssub.s32 $0x0, s20;
	[sflag:s22] =	ssyncset.done $0x0  }
0xa0: {  	[sflag:s22] =	ssyncadd.s32 s3;
	_ =	sdelay $0x1  }
0xa1: {  	s23 =	simm.s32 $0x1B8B  }
0xa2: {  	_ =	swait.ge [sflag:s23], $0x1  }
0xa3: {  	[sflag:s23] =	ssyncset.done $0x0  }
0xa4: {  	s25 =	simm.s32 $0x1B8E;
	s24 =	sld [smem:$0x3FFE];
	[sflag:s23] =	ssyncadd.s32 $0xFFFFFFFF  }
0xa5: {  	s26 =	simm.s32 $execute0_lowered;
	[smem:$0x3FD2] =	sst s25  }
0xa6: {  	s4 =	sshll.u32 s26, $0x1;
	_ =	strace $0x80000046;
	[dreg:$0x1] =	wrdreg $0xFFFFFFFF  }
0xa7: {  	s28 =	simm.s32 $_size_execute0_lowered;
	s2 =	sadd.s32 s2, s4;
	[dreg:$0x0] =	wrdreg $0x0  }
0xa8: {  	s4 =	sshll.u32 s28, $0x1;
	[dreg:$0x2] =	wrdreg s2  }
0xa9: {  	[dreg:$0x3] =	wrdreg s4  }
0xaa: {  	[dreg:$0x4] =	wrdreg $0xC0  }
0xab: {  	_ =	task [dreg:s6], $0x5FFFF  }
0xac: {  	[dreg:$0x1] =	wrdreg $0xFFFFFFFF  }
0xad: {  	[dreg:$0x0] =	wrdreg $0x60  }
0xae: {  	[dreg:$0x2] =	wrdreg s24  }
0xaf: {  	[dreg:$0x3] =	wrdreg $0x9  }
0xb0: {  	_ =	task.clear_ibuf [dreg:s6], $0x4FFFF;
	_ =	strace $0x90000046  }
0xb1: {  	s29 =	simm.s32 $0x9;
	_ =	strace $0x80000048  }
0xb2: {  	_ =	swait.ge [sflag:s29], $0x1  }
0xb3: {  	[sflag:s29] =	ssyncadd.s32 $0xFFFFFFFF  }
0xb4: {  	_ =	strace $0x90000048  }
0xb5: {  	_ =	sfence  }
0xb6: {  	s30 =	sld [smem:$0x0];
	_ =	sdelay $0x2  }
0xb7: {  	s31 =	sshll.u32 s1, $0xD;
	s1 =	sshrl.u32 s1, $0x2  }
0xb8: {  	s3 =	sand.u32 $0x4000, s31;
	s1 =	sadd.s32 s1, s30  }
0xb9: {  	s0 =	sor.u32 s3, s0;
	s1 =	sshll.u32 s1, $0x11  }
0xba: {  	s0 =	sor.u32 s1, s0  }
0xbb: {  	s0 =	sadd.s32 $0x8F2B, s0  }
0xbc: {  	[sflag:s0] =	ssyncadd.remote.s32 $0x1  }
0xbd: {  	_ =	sfence.sel $0xFFFF  }
0xbe: {  	[dreg:$0x0] =	wrdreg $0xFFFFFFFF;
	(pc) =	sbr.abs _section_cstart, $3  }
0xbf: {  	[dreg:$0x1] =	wrdreg $0xFFFFFFFF  }
0xc0: {  	_ =	task.clear_ibuf [dreg:s6], $0x2FFFF;
	_ =	strace $0x9FFFFFFF  }
0xc1: {  	(tm) =	ssettm $0x7FFFFFFF  }
tec
execute0_lowered:
.L_overlay_start_1:
0x0: {  	(tag) =	ssettag $0x1  }
0x1: {  	s2 =	rddreg [dreg:$0x0]  }
0x2: {  	s0 =	rddreg [dreg:$0x1]  }
0x3: {  	s1 =	srdreg.scid;
	_ =	strace $0x80000047;
	s4 =	simm.s32 $0x1  }
0x4: {  	s9 =	simm.s32 $0x3;
	s12 =	simm.s32 $0x0;
	s5 =	sshll.u32 s1, $0x4  }
.Ltmp0:
0x5: {  	s1 =	stileid.u32;
	s5 =	sand.u32 $0x10, s5;
	(pc) =	sbr.rel .LBB2_1-.Ltmp0, $4  }
0x6: {  	s10 =	simm.s32 $0x0;
	s3 =	sadd.s32 $0x40000, s2;
	s6 =	sor.u32 s1, s5  }
0x7: {  	[sflag:s4] =	ssyncpa.u1 $0x0;
	s5 =	simm.s32 $0x2;
	s6 =	sshll.u32 s6, $0x8  }
0x8: {  	s7 =	sadd.s32 $0x40400, s2;
	[sflag:s5] =	ssyncpa.u1 $0x0;
	s8 =	sadd.s32 $0x100, s6  }
0x9: {  	vm0 =	vmmov $0xff;
	vm1 =	vcmask $0x3F20;
	[sflag:s9] =	ssyncpa.u1 $0x0;
	s9 =	simm.s32 $0x100;
	s11 =	smov.u32 s6  }
.LBB2_9:
0xa: {  	p0 =	seq.s32 s10, $0x2  }
.Ltmp1:
0xb: {  	_ = 	snop;
	(pc) =	sbr.rel @p0 .LBB2_11-.Ltmp1, $1  }
0xc: {  	_ =	sdelay $0x3  }
.LBB2_10:
0xd: {  	s12 =	sadd.s32 $0x100, s11  }
0xe: {  	s13 =	smov.u32 s6;
	p0 =	slt.s32 s12, s8  }
0xf: {  	s13 =	smov.u32 @p0 s12  }
0x10: {  	s10 =	sadd.s32 $0x1, s10;
	s12 =	smov.u32 s11;
	s11 =	smov.u32 s13  }
.LBB2_1:
0x11: {  	p0 =	sne.s32 s10, $0x0  }
.Ltmp2:
0x12: {  	_ = 	snop;
	(pc) =	sbr.rel @!p0 .LBB2_2-.Ltmp2, $1  }
0x13: {  	_ =	sdelay $0x3  }
0x14: {  	s13 =	sand.u32 $0x1, s10  }
0x15: {  	p0 =	seq.s32 s13, $0x0  }
.Ltmp3:
0x16: {  	_ = 	snop;
	(pc) =	sbr.rel @p0 .LBB2_9-.Ltmp3, $1  }
0x17: {  	_ =	sdelay $0x3  }
0x18: {  	_ =	swait.ge [sflag:s5], $0x100  }
0x19: {  	[sflag:s5] =	ssyncset.done $0x0  }
0x1a: {  	s13 =	simm.s32 $0x0;
	[sflag:s5] =	ssyncadd.s32 $0xFFFFFF00  }
0x1b: {  	v0 =	vld.msk [tilespmem:s13+$0x100 ss:$0x1], $0xffff;
	_ =	sdelay $0x4  }
0x1c: {  	v1 =	vshll.u32 v0, $0x3  }
0x1d: {  	vm2 =	veq.s32 v0, $0x80000000;
	v0 =	vshll.u32 v0, $0x11;
	v1 =	vand.u32 $0x1FF80, v1  }
0x1e: {  	v0 =	vand.u32 $0x1E0000, v0;
	v1 =	vsel vm2, $0xFFFFFF80, v1  }
0x1f: {  	v0 =	vsel vm2, $0xFFFE0000, v0;
	v2 =	vand.u32 $0xFFFFFC00, v1  }
0x20: {  	v1 =	vand.u32 $0x380, v1;
	v0 =	vadd.s32 v0, v2  }
0x21: {  	v0 =	vor.u32 v1, v0  }
0x22: {  	v0 =	vshrl.u32 v0, $0x3;
	_ =	sdelay $0x3  }
0x23: {  	s13 =	simm.s32 $0x8200  }
0x24: {  	[tilespmem:s13], [sflag:$0x1] =	stream.indirect_vreg.gather [hbm:s2], $0x80, v0, vm0, $0x38;
	[tilespmem:$0x10200] =	vst v63  }
0x25: {  	s14 =	simm.s32 $0x8600;
	s31 =	simm.s32 $0x10  }
0x26: {  	[tilespmem:s14], [sflag:$0x1] =	stream.indirect_vreg.gather [hbm:s2], $0x80, v0, vm1, $0x38;
	[tilespmem:$0x10200] =	vst v63  }
0x27: {  	s14 =	simm.s32 $0x80;
	v0 =	vld.msk [tilespmem:s31+$0x100 ss:$0x1], $0xffff  }
.LBB2_5:
0x28: {  	p0 =	sne.s32 s14, $0x3C0;
	_ =	sdelay $0x4  }
0x29: {  	v1 =	vshll.u32 v0, $0x3  }
0x2a: {  	vm2 =	veq.s32 v0, $0x80000000;
	v0 =	vshll.u32 v0, $0x11;
	v1 =	vand.u32 $0x1FF80, v1  }
0x2b: {  	v0 =	vand.u32 $0x1E0000, v0;
	v1 =	vsel vm2, $0xFFFFFF80, v1  }
0x2c: {  	v0 =	vsel vm2, $0xFFFE0000, v0;
	v2 =	vand.u32 $0xFFFFFC00, v1  }
0x2d: {  	v1 =	vand.u32 $0x380, v1;
	v0 =	vadd.s32 v0, v2  }
0x2e: {  	v0 =	vor.u32 v1, v0  }
0x2f: {  	v0 =	vshrl.u32 v0, $0x3;
	_ =	sdelay $0x3  }
.Ltmp4:
0x30: {  	s13 =	sadd.s32 $0x800, s13;
	(pc) =	sbr.rel @p0 .LBB2_5-.Ltmp4, $4  }
0x31: {  	[tilespmem:s13], [sflag:$0x1] =	stream.indirect_vreg.gather [hbm:s2], $0x80, v0, vm0, $0x38;
	[tilespmem:$0x10200] =	vst v63  }
0x32: {  	s15 =	sshra.s32 s14, $0x2;
	s16 =	sadd.s32 $0x400, s13  }
0x33: {  	[tilespmem:s16], [sflag:$0x1] =	stream.indirect_vreg.gather [hbm:s2], $0x80, v0, vm1, $0x38;
	[tilespmem:$0x10200] =	vst v63  }
0x34: {  	s14 =	sadd.s32 $0x40, s14;
	v0 =	vld.msk [tilespmem:s15+$0x100 ss:$0x1], $0xffff  }
0x35: {  	_ =	sdelay $0x3  }
0x36: {  	v1 =	vshll.u32 v0, $0x3  }
0x37: {  	vm2 =	veq.s32 v0, $0x80000000;
	v63 =	vshll.u32 v0, $0x11;
	v1 =	vand.u32 $0x1FF80, v1  }
0x38: {  	v0 =	vand.u32 $0x1E0000, v63;
	v1 =	vsel vm2, $0xFFFFFF80, v1  }
0x39: {  	v0 =	vsel vm2, $0xFFFE0000, v0;
	v2 =	vand.u32 $0xFFFFFC00, v1  }
0x3a: {  	v1 =	vand.u32 $0x380, v1;
	v0 =	vadd.s32 v0, v2  }
0x3b: {  	v0 =	vor.u32 v1, v0  }
0x3c: {  	v0 =	vshrl.u32 v0, $0x3;
	_ =	sdelay $0x3  }
0x3d: {  	s13 =	sadd.s32 $0x800, s13  }
0x3e: {  	[tilespmem:s13], [sflag:$0x1] =	stream.indirect_vreg.gather [hbm:s2], $0x80, v0, vm0, $0x38;
	[tilespmem:$0x10200] =	vst v63  }
0x3f: {  	s13 =	sadd.s32 $0x400, s13  }
0x40: {  	[tilespmem:s13], [sflag:$0x1] =	stream.indirect_vreg.gather [hbm:s2], $0x80, v0, vm1, $0x38;
	[tilespmem:$0x10200] =	vst v63  }
0x41: {  	s12 =	sshll.u32 s12, $0x4;
	s14 =	simm.s32 $0x80;
	_ =	swait.ge [sflag:s4], $0x8000  }
0x42: {  	s15 =	simm.s32 $0x8600;
	s12 =	sadd.s32 s12, s7;
	[sflag:s4] =	ssyncset.done $0x0  }
0x43: {  	s16 =	sadd.s32 $0x0, s12;
	s13 =	simm.s32 $0x8200;
	[sflag:s4] =	ssyncadd.s32 $0xFFFF8000  }
.LBB2_7:
0x44: {  	[hbm:s16] =	stream.linear.scatter [tilespmem:s13], [sflag:$0x3], $0x400, $0x38;
	[tilespmem:$0x10200] =	vst v63  }
0x45: {  	s16 =	smov.u32 s14;
	s13 =	smov.u32 s15;
	p0 =	sne.s32 s14, $0xF80  }
.Ltmp5:
0x46: {  	s14 =	sadd.s32 $0x80, s14;
	(pc) =	sbr.rel @p0 .LBB2_7-.Ltmp5, $2  }
0x47: {  	_ =	sdelay $0x2  }
0x48: {  	s15 =	sadd.s32 $0x400, s15;
	s16 =	sadd.s32 s16, s12  }
.Ltmp6:
0x49: {  	(pc) =	sbr.rel .LBB2_9-.Ltmp6, $2  }
0x4a: {  	_ =	sdelay $0x2  }
0x4b: {  	[hbm:s16] =	stream.linear.scatter [tilespmem:s13], [sflag:$0x3], $0x400, $0x38;
	[tilespmem:$0x10200] =	vst v63  }
.LBB2_2:
.Ltmp7:
0x4c: {  	(pc) =	sbr.rel .LBB2_10-.Ltmp7, $4  }
0x4d: {  	_ = 	snop  }
0x4e: {  	s12 =	sshrl.u32 s11, $0x3  }
0x4f: {  	s13 =	sand.u32 $0x7, s11;
	s12 =	sadd.s32 s3, s12  }
0x50: {  	[tilespmem:s9], [sflag:$0x2] =	stream.linear.gather [hbm4b:s12+s13], $0x100, $0x38;
	[tilespmem:$0x10200] =	vst v63  }
.LBB2_11:
0x51: {  	s2 =	simm.s32 $0x3  }
0x52: {  	_ =	swait.ge [sflag:s2], $0x8000  }
0x53: {  	[sflag:s2] =	ssyncset.done $0x0  }
0x54: {  	[sflag:s2] =	ssyncadd.s32 $0xFFFF8000  }
0x55: {  	_ =	sfence.sel $0x180000  }
0x56: {  	s3 =	simm.s32 $0x2;
	[bflag:$0x0] =	sbarrier.arrive $0xFFFF  }
0x57: {  	[sflag:s3] =	ssyncpa.u1 $0x1  }
0x58: {  	s31 =	simm.s32 $0x1;
	[sflag:s2] =	ssyncpa.u1 $0x1  }
0x59: {  	[sflag:s31] =	ssyncpa.u1 $0x1  }
0x5a: {  	p0 =	sne.s32 s1, $0x0;
	_ =	strace $0x90000047  }
0x5b: {  	s0 =	sadd.s32 @!p0 $0x100000, s0;
	[bflag:$0x2] =	sbarrier.arrive $0xFFFF  }
0x5c: {  	[sflag:s0] =	ssyncadd.tile.s32 @!p0 $0x1;
	_ =	shalt  }
.Lfunc_end2:
_tile_overlayer_lowered:
.L_overlay_start_2:
0x5d: {  	(tag) =	ssettag $0x2  }
0x5e: {  	s0 =	rddreg [dreg:$0x0];
	s2 =	stileid.u32  }
0x5f: {  	s1 =	rddreg [dreg:$0x1];
	p0 =	sne.s32 s2, $0x0  }
0x60: {  	s3 =	rddreg [dreg:$0x2];
	[bflag:$0x3] =	sbarrier.arrive $0xFFFF;
	s2 =	simm.s32 @!p0 $0x1C01  }
0x61: {  	[timem:s3], [sflag:s2] =	dma.local @!p0 [hbm:s0], s1  }
0x62: {  	s0 =	simm.s32 @!p0 $0x1  }
0x63: {  	_ =	swait.ge @!p0 [sflag:s0], s1  }
0x64: {  	s1 =	ssub.s32 @!p0 $0x0, s1;
	[sflag:s0] =	ssyncset.done @!p0 $0x0  }
0x65: {  	[sflag:s0] =	ssyncadd.s32 @!p0 s1  }
0x66: {  	[bflag:$0x3] =	sbarrier.arrive $0xFFFF  }
0x67: {  	_ =	shalt  }

// kernel: sparse-core-data-format-call.1.cloned.1.call-start
scs
called_computation.1_lowered:
.L_overlay_start_0:
0x0: {  	s2 =	sld [smem:$0x3FD9]  }
0x1: {  	s3 =	sld [smem:$0x3FFE];
	_ =	sdelay $0x1  }
0x2: {  	s1 =	srdreg.scid  }
0x3: {  	s0 =	sand.u32 $0x1, s1  }
0x4: {  	s18 =	sshll.u32 s0, $0xA;
	s2 =	sadd.s32 s3, s2  }
0x5: {  	s2 =	sadd.s32 s2, s18  }
0x6: {  	[smem:$0x3FB9] =	sst s2  }
0x7: {  	_ = 	snop  }
0x8: {  	(tm) =	ssettm $0x1  }
0x9: {  	s19 =	sld [smem:$0x3FFB];
	_ =	sdelay $0x3  }
0xa: {  	_ =	strace s19  }
0xb: {  	s2 =	sld [smem:$0x3FFC];
	_ =	sdelay $0x3  }
0xc: {  	_ =	strace s2  }
0xd: {  	s2 =	sld [smem:$0x3FFD];
	_ =	sdelay $0x3  }
0xe: {  	_ =	strace s2  }
0xf: {  	_ =	strace $0x8FFFFFFF  }
0x10: {  	s20 =	sld [smem:$0x3FDB];
	_ =	sdelay $0x1  }
0x11: {  	s21 =	simm.s32 $_scs_section_size  }
0x12: {  	s4 =	simm.s32 $_size__tile_overlayer_lowered;
	s5 =	simm.s32 $_tile_overlayer_lowered  }
0x13: {  	s6 =	simm.s32 $0x1BFF;
	s22 =	sshll.u32 s5, $0x1;
	s3 =	sadd.s32 s21, s20  }
0x14: {  	s23 =	simm.s32 $0x0;
	s4 =	sshll.u32 s4, $0x1;
	s5 =	sadd.s32 s22, s3  }
0x15: {  	[timem:s23], [sflag:s6] =	dma.local [hbm:s5], s4  }
0x16: {  	_ =	swait.ge [sflag:s6], s4  }
0x17: {  	s4 =	ssub.s32 $0x0, s4;
	[sflag:s6] =	ssyncset.done $0x0  }
0x18: {  	[sflag:s6] =	ssyncadd.s32 s4;
	_ =	sdelay $0x1  }
0x19: {  	s24 =	simm.s32 $0x1B8B  }
0x1a: {  	_ =	swait.ge [sflag:s24], $0x1  }
0x1b: {  	[sflag:s24] =	ssyncset.done $0x0  }
0x1c: {  	[sflag:s24] =	ssyncadd.s32 $0xFFFFFFFF  }
0x1d: {  	s4 =	sld [smem:$0x0]  }
0x1e: {  	s5 =	sand.u32 $0xFFFFFFFE, s1  }
0x1f: {  	p0 =	sne.s32 s1, s5  }
0x20: {  	s5 =	sshll.u32 @p0 s5, $0xE  }
0x21: {  	s5 =	sadd.s32 @p0 $0x11B8D, s5;
	s6 =	sshll.u32 @p0 s4, $0x11  }
0x22: {  	s5 =	sor.u32 @p0 s6, s5  }
0x23: {  	[sflag:s5] =	ssyncadd.remote.s32 @p0 $0x1;
	_ =	sdelay $0x1  }
0x24: {  	s5 =	simm.s32 @p0 $0x1B8D  }
0x25: {  	_ =	swait.eq @p0 [sflag:s5], $0x1  }
0x26: {  	[sflag:s5] =	ssyncadd.s32 @p0 $0xFFFFFFFF  }
0x27: {  	s6 =	sshll.u32 @!p0 s1, $0xE  }
0x28: {  	s6 =	sor.u32 @!p0 $0x4000, s6;
	s5 =	simm.s32 @!p0 $0x1B8D  }
0x29: {  	s4 =	sshll.u32 @!p0 s4, $0x11;
	s6 =	sadd.s32 @!p0 $0x11B8D, s6;
	_ =	swait.eq @!p0 [sflag:s5], $0x1  }
0x2a: {  	s4 =	sor.u32 @!p0 s4, s6;
	[sflag:s5] =	ssyncadd.s32 @!p0 $0xFFFFFFFF  }
0x2b: {  	s26 =	simm.s32 $0x1B8E;
	s25 =	sld [smem:$0x3FFE];
	[sflag:s4] =	ssyncadd.remote.s32 @!p0 $0x1  }
0x2c: {  	s27 =	simm.s32 $execute0_lowered;
	[smem:$0x3FD2] =	sst s26  }
0x2d: {  	s5 =	sshll.u32 s27, $0x1;
	_ =	strace $0x8000004C;
	[dreg:$0x1] =	wrdreg $0xFFFFFFFF  }
0x2e: {  	s28 =	simm.s32 $_size_execute0_lowered;
	s3 =	sadd.s32 s3, s5;
	[dreg:$0x0] =	wrdreg $0x0  }
0x2f: {  	s5 =	sshll.u32 s28, $0x1;
	[dreg:$0x2] =	wrdreg s3  }
0x30: {  	[dreg:$0x3] =	wrdreg s5  }
0x31: {  	[dreg:$0x4] =	wrdreg $0xC0  }
0x32: {  	_ =	task [dreg:s23], $0x5FFFF  }
0x33: {  	[dreg:$0x1] =	wrdreg $0xFFFFFFFF  }
0x34: {  	[dreg:$0x0] =	wrdreg $0x60  }
0x35: {  	[dreg:$0x2] =	wrdreg s25  }
0x36: {  	[dreg:$0x3] =	wrdreg $0x9  }
0x37: {  	_ =	task.clear_ibuf [dreg:s23], $0x4FFFF;
	_ =	strace $0x9000004C  }
0x38: {  	s29 =	simm.s32 $0x9;
	_ =	strace $0x8000004E  }
0x39: {  	_ =	swait.ge [sflag:s29], $0x1  }
0x3a: {  	[sflag:s29] =	ssyncadd.s32 $0xFFFFFFFF  }
0x3b: {  	_ =	strace $0x9000004E  }
0x3c: {  	_ =	sfence  }
0x3d: {  	s30 =	sld [smem:$0x0];
	_ =	sdelay $0x2  }
0x3e: {  	s31 =	sshll.u32 s1, $0xD;
	s1 =	sshrl.u32 s1, $0x2  }
0x3f: {  	s4 =	sand.u32 $0x4000, s31;
	s1 =	sadd.s32 s1, s30  }
0x40: {  	s0 =	sor.u32 s4, s0;
	s1 =	sshll.u32 s1, $0x11  }
0x41: {  	s0 =	sor.u32 s1, s0  }
0x42: {  	s0 =	sadd.s32 $0x8F2B, s0  }
0x43: {  	[sflag:s0] =	ssyncadd.remote.s32 $0x1  }
0x44: {  	_ =	sfence.sel $0xFFFF  }
0x45: {  	[dreg:$0x0] =	wrdreg $0xFFFFFFFF;
	(pc) =	sbr.abs _section_cstart, $3  }
0x46: {  	[dreg:$0x1] =	wrdreg $0xFFFFFFFF  }
0x47: {  	_ =	task.clear_ibuf [dreg:s23], $0x2FFFF;
	_ =	strace $0x9FFFFFFF  }
0x48: {  	(tm) =	ssettm $0x7FFFFFFF  }
0x49: {  	_ =	shalt  }
tec
execute0_lowered:
.L_overlay_start_1:
0x0: {  	(tag) =	ssettag $0x1  }
0x1: {  	s0 =	srdreg.scid;
	s3 =	rddreg [dreg:$0x0];
	s5 =	simm.s32 $0x1  }
0x2: {  	s7 =	simm.s32 $0x2;
	s15 =	simm.s32 $0x0;
	p0 =	por $0x0, $0x0  }
0x3: {  	s8 =	simm.s32 $0x2000;
	s13 =	simm.s32 $0x0;
	s1 =	sshll.u32 s0, $0x7  }
0x4: {  	s14 =	simm.s32 $0x0;
	s9 =	simm.s32 $0x0;
	s1 =	sand.u32 $0x80, s1  }
0x5: {  	s0 =	rddreg [dreg:$0x1];
	_ =	strace $0x8000004D;
	s6 =	ssub.s32 $0x400, s1  }
.Ltmp0:
0x6: {  	s2 =	sadd.s32 $0x70400, s3;
	s31 =	sshrl.u32 s6, $0x7;
	(pc) =	sbr.rel .LBB1_1-.Ltmp0, $4  }
0x7: {  	s4 =	sadd.s32 $0x270400, s3;
	s6 =	sshrl.u32 s6, $0x8;
	s3 =	sand.u32 $0x1, s31  }
0x8: {  	s11 =	stileid.u32;
	[sflag:s5] =	ssyncpa.u1 $0x0;
	s6 =	sadd.s32 s6, s3  }
0x9: {  	s12 =	simm.s32 $0x0;
	[sflag:s7] =	ssyncpa.u1 $0x0;
	s6 =	sshll.u32 s6, $0x3  }
0xa: {  	s10 =	smov.u32 s1;
	s3 =	stileid.u32;
	s7 =	sor.u32 $0x1, s6  }
.LBB1_4:
0xb: {  	v5 =	vld [tilespmem:s19+$0xFFFFFFD0];
	[tilespmem:s18+$0x2040 ss:$0x81] =	vst.msk $0xffff, v1  }
0xc: {  	v58 =	vld [tilespmem:s19+$0xFFFFFFE0];
	[tilespmem:s18+$0x2850 ss:$0x81] =	vst.msk $0xffff, v2  }
0xd: {  	s20 =	sshra.s32 s20, $0x2;
	v59 =	vld [tilespmem:s19+$0xFFFFFFF0];
	[tilespmem:s18+$0x3060 ss:$0x81] =	vst.msk $0xffff, v3  }
0xe: {  	v60 =	vld [tilespmem:s19+$0x0];
	[tilespmem:s18+$0x0 ss:$0x81] =	vst.msk $0xffff, v0;
	s17 =	sadd.s32 s20, s17  }
0xf: {  	v61 =	vld [tilespmem:s19+$0x10];
	[tilespmem:s17+$0x3870 ss:$0x81] =	vst.msk $0xffff, v4  }
0x10: {  	v62 =	vld [tilespmem:s19+$0x20];
	s26 =	sshll.u32 s15, $0xA;
	s27 =	sshll.u32 s13, $0x3;
	[tilespmem:s17+$0x810 ss:$0x81] =	vst.msk $0xffff, v5  }
0x11: {  	v63 =	vld [tilespmem:s19+$0xFFFFFFC0];
	s29 =	sshll.u32 s15, $0x7;
	s30 =	sand.u32 $0x78, s13;
	s14 =	sshll.u32 s14, $0x11;
	[tilespmem:s17+$0x1020 ss:$0x81] =	vst.msk $0xffff, v58  }
0x12: {  	s18 =	sand.u32 $0xFE000, s26;
	s28 =	sand.u32 $0xFFC00, s27;
	s15 =	sand.u32 $0x380, s29;
	[tilespmem:s17+$0x1830 ss:$0x81] =	vst.msk $0xffff, v59  }
0x13: {  	s31 =	sand.u32 $0x7, s13;
	s18 =	sadd.s32 s28, s18;
	s15 =	sor.u32 s30, s15;
	[tilespmem:s17+$0x2040 ss:$0x81] =	vst.msk $0xffff, v60  }
0x14: {  	s14 =	sadd.s32 s4, s14;
	s18 =	sshrl.u32 s18, $0x3;
	s15 =	sshrl.u32 s15, $0x3;
	[tilespmem:s17+$0x2850 ss:$0x81] =	vst.msk $0xffff, v61  }
0x15: {  	s13 =	sshll.u32 s31, $0x12;
	s18 =	sand.u32 $0x1FF80, s18;
	s14 =	sadd.s32 s15, s14;
	[tilespmem:s17+$0x3060 ss:$0x81] =	vst.msk $0xffff, v62  }
0x16: {  	s13 =	sor.u32 $0x400, s13;
	[tilespmem:s17+$0x0 ss:$0x81] =	vst.msk $0xffff, v63;
	s14 =	sadd.s32 s18, s14  }
0x17: {  	[hbm4b:s14+s13] =	stream.strided.scatter [tilespmem:s16], [sflag:$0x2], $0x4000, s8, s13, $0x20;
	[tilespmem:$0x10100] =	vst v63  }
.LBB1_5:
0x18: {  	s16 =	sadd.s32 $0x80, s9  }
0x19: {  	s13 =	sadd.s32 $0x100, s10;
	s17 =	smov.u32 s10;
	p2 =	sgt.s32 s16, $0x3FF  }
0x1a: {  	s17 =	smov.u32 @p2 s13  }
0x1b: {  	s19 =	smov.u32 s11;
	s13 =	sadd.s32 $0x10, s11;
	p3 =	sgt.s32 s17, $0x3FF  }
0x1c: {  	s19 =	smov.u32 @p3 s13  }
0x1d: {  	s16 =	simm.s32 @p2 $0x0;
	p2 =	sgt.s32 s19, $0xF  }
0x1e: {  	p1 =	slt.u32 s12, $0x2;
	s19 =	smov.u32 @p2 s3;
	p2 =	sne.s32 s12, s7  }
.Ltmp1:
0x1f: {  	s18 =	simm.s32 @!p1 $0x2;
	(pc) =	sbr.rel @!p2 .LBB1_6-.Ltmp1, $4  }
0x20: {  	s15 =	smov.u32 s9;
	s14 =	smov.u32 s11;
	_ =	swait.ge @!p1 [sflag:s18], $0x4000  }
0x21: {  	p0 =	por !p0, !p0;
	[sflag:s18] =	ssyncset.done @!p1 $0x0;
	s9 =	smov.u32 s16  }
0x22: {  	s17 =	smov.u32 @p3 s1;
	s13 =	smov.u32 s10;
	[sflag:s18] =	ssyncadd.s32 @!p1 $0xFFFFC000  }
0x23: {  	s10 =	smov.u32 s17;
	s12 =	sadd.s32 $0x1, s12;
	s11 =	smov.u32 s19  }
.LBB1_1:
0x24: {  	p1 =	sge.u32 s12, s6  }
0x25: {  	s31 =	sadd.s32 $0xFFFFFFFF, s12;
	s16 =	sshll.u32 @!p1 s10, $0x7  }
0x26: {  	s17 =	sxor.u32 @!p1 $0xFFFFFFFF, s12;
	s18 =	sand.u32 @!p1 $0x78, s9;
	s19 =	sand.u32 @!p1 $0x380, s16  }
0x27: {  	s17 =	sshll.u32 @!p1 s17, $0xE;
	s18 =	sor.u32 @!p1 s18, s19;
	s19 =	sshll.u32 @!p1 s11, $0x11  }
0x28: {  	s16 =	sand.u32 @!p1 $0x1FC00, s16;
	s18 =	sshrl.u32 @!p1 s18, $0x3;
	s19 =	sadd.s32 @!p1 s2, s19  }
0x29: {  	s16 =	sadd.s32 @!p1 s9, s16;
	s18 =	sadd.s32 @!p1 s18, s19;
	s19 =	sand.u32 @!p1 $0x7, s9  }
0x2a: {  	s17 =	sand.u32 @!p1 $0x4000, s17;
	s16 =	sand.u32 @!p1 $0x1FF80, s16;
	s19 =	sshll.u32 @!p1 s19, $0x12  }
0x2b: {  	s16 =	sadd.s32 @!p1 s16, s18;
	s18 =	sor.u32 @!p1 $0x400, s19;
	s19 =	simm.s32 @!p1 $0x2000  }
0x2c: {  	[tilespmem:s17], [sflag:$0x1] =	stream.strided.gather @!p1 [hbm4b:s16+s18], $0x4000, s19, s18, $0x38;
	[tilespmem:$0x10100] =	vst v63  }
0x2d: {  	p1 =	sge.u32 s31, s6  }
.Ltmp2:
0x2e: {  	_ = 	snop;
	(pc) =	sbr.rel @p1 .LBB1_5-.Ltmp2, $1  }
0x2f: {  	_ =	sdelay $0x3  }
0x30: {  	s16 =	simm.s32 $0x1  }
0x31: {  	_ =	swait.ge [sflag:s5], $0x4000;
	s16 =	simm.s32 @!p0 $0x0  }
0x32: {  	[sflag:s5] =	ssyncset.done $0x0;
	s17 =	sshll.u32 s16, $0xE  }
0x33: {  	[sflag:s5] =	ssyncadd.s32 $0xFFFFC000;
	s19 =	sor.u32 $0x40, s17  }
0x34: {  	s16 =	smul.u32 $0x10200, s16;
	v0 =	vld [tilespmem:s19+$0x30]  }
0x35: {  	v3 =	vld [tilespmem:s19+$0xFFFFFFD0]  }
0x36: {  	s16 =	sshrl.u32 s16, $0x2;
	v4 =	vld [tilespmem:s19+$0xFFFFFFE0]  }
0x37: {  	v5 =	vld [tilespmem:s19+$0xFFFFFFF0];
	s17 =	sor.u32 $0x8000, s16  }
0x38: {  	s31 =	sand.u32 $0x1, s12;
	v1 =	vld [tilespmem:s19+$0x0];
	s18 =	sadd.s32 $0x0, s17  }
0x39: {  	v2 =	vld [tilespmem:s19+$0x10];
	s16 =	smul.u32 $0x10200, s31;
	[tilespmem:s18+$0x3870 ss:$0x81] =	vst.msk $0xffff, v0  }
0x3a: {  	[tilespmem:s18+$0x810 ss:$0x81] =	vst.msk $0xffff, v3;
	v3 =	vld [tilespmem:s19+$0x20]  }
0x3b: {  	s16 =	sshrl.u32 s16, $0x2;
	v0 =	vld [tilespmem:s19+$0xFFFFFFC0];
	[tilespmem:s18+$0x1020 ss:$0x81] =	vst.msk $0xffff, v4;
	s19 =	sadd.s32 $0x80, s19  }
0x3c: {  	s20 =	simm.s32 $0x4;
	s21 =	simm.s32 $0x8;
	s16 =	sor.u32 $0x8000, s16;
	[tilespmem:s18+$0x1830 ss:$0x81] =	vst.msk $0xffff, v5;
	v4 =	vld [tilespmem:s19+$0x30]  }
.LBB1_3:
0x3d: {  	p1 =	sne.s32 s21, $0x1FC;
	v5 =	vld [tilespmem:s19+$0xFFFFFFD0];
	[tilespmem:s18+$0x2040 ss:$0x81] =	vst.msk $0xffff, v1  }
0x3e: {  	v6 =	vld [tilespmem:s19+$0xFFFFFFE0];
	[tilespmem:s18+$0x2850 ss:$0x81] =	vst.msk $0xffff, v2  }
0x3f: {  	s22 =	sshra.s32 s20, $0x2;
	s20 =	smov.u32 s21;
	v7 =	vld [tilespmem:s19+$0xFFFFFFF0];
	[tilespmem:s18+$0x3060 ss:$0x81] =	vst.msk $0xffff, v3  }
.Ltmp3:
0x40: {  	v1 =	vld [tilespmem:s19+$0x0];
	[tilespmem:s18+$0x0 ss:$0x81] =	vst.msk $0xffff, v0;
	s18 =	sadd.s32 s22, s17;
	(pc) =	sbr.rel @p1 .LBB1_3-.Ltmp3, $4  }
0x41: {  	v2 =	vld [tilespmem:s19+$0x10];
	[tilespmem:s18+$0x3870 ss:$0x81] =	vst.msk $0xffff, v4  }
0x42: {  	[tilespmem:s18+$0x810 ss:$0x81] =	vst.msk $0xffff, v5;
	v3 =	vld [tilespmem:s19+$0x20]  }
0x43: {  	v0 =	vld [tilespmem:s19+$0xFFFFFFC0];
	[tilespmem:s18+$0x1020 ss:$0x81] =	vst.msk $0xffff, v6;
	s19 =	sadd.s32 $0x80, s19  }
0x44: {  	s21 =	sadd.s32 $0x4, s21;
	v4 =	vld [tilespmem:s19+$0x30];
	[tilespmem:s18+$0x1830 ss:$0x81] =	vst.msk $0xffff, v7  }
.Ltmp4:
0x45: {  	_ = 	snop;
	(pc) =	sbr.rel .LBB1_4-.Ltmp4, $1  }
0x46: {  	_ =	sdelay $0x3  }
.LBB1_6:
0x47: {  	_ =	sfence.sel $0x180000  }
0x48: {  	s1 =	simm.s32 $0x1;
	[bflag:$0x0] =	sbarrier.arrive $0xFFFF  }
0x49: {  	s31 =	simm.s32 $0x2;
	[sflag:s1] =	ssyncpa.u1 $0x1  }
0x4a: {  	[sflag:s31] =	ssyncpa.u1 $0x1  }
0x4b: {  	p0 =	sne.s32 s3, $0x0;
	_ =	strace $0x9000004D  }
0x4c: {  	s0 =	sadd.s32 @!p0 $0x100000, s0;
	[bflag:$0x2] =	sbarrier.arrive $0xFFFF  }
0x4d: {  	[sflag:s0] =	ssyncadd.tile.s32 @!p0 $0x1;
	_ =	shalt  }
.Lfunc_end1:
_tile_overlayer_lowered:
.L_overlay_start_2:
0x4e: {  	(tag) =	ssettag $0x2  }
0x4f: {  	s0 =	rddreg [dreg:$0x0];
	s2 =	stileid.u32  }
0x50: {  	s1 =	rddreg [dreg:$0x1];
	p0 =	sne.s32 s2, $0x0  }
0x51: {  	s3 =	rddreg [dreg:$0x2];
	[bflag:$0x3] =	sbarrier.arrive $0xFFFF;
	s2 =	simm.s32 @!p0 $0x1C01  }
0x52: {  	[timem:s3], [sflag:s2] =	dma.local @!p0 [hbm:s0], s1  }
0x53: {  	s0 =	simm.s32 @!p0 $0x1  }
0x54: {  	_ =	swait.ge @!p0 [sflag:s0], s1  }
0x55: {  	s1 =	ssub.s32 @!p0 $0x0, s1;
	[sflag:s0] =	ssyncset.done @!p0 $0x0  }
0x56: {  	[sflag:s0] =	ssyncadd.s32 @!p0 s1  }
0x57: {  	[bflag:$0x3] =	sbarrier.arrive $0xFFFF  }
0x58: {  	_ =	shalt  }

// kernel: sparse-core-data-format-call.cloned.1.call-start
scs
called_computation_lowered:
.L_overlay_start_0:
0x0: {  	s1 =	sld [smem:$0x3FD9]  }
0x1: {  	s2 =	sld [smem:$0x3FFE];
	_ =	sdelay $0x1  }
0x2: {  	s3 =	srdreg.scid  }
0x3: {  	s0 =	sand.u32 $0x1, s3  }
0x4: {  	s17 =	sshll.u32 s0, $0xA;
	s1 =	sadd.s32 s2, s1  }
0x5: {  	s1 =	sadd.s32 s1, s17  }
0x6: {  	[smem:$0x3FB9] =	sst s1  }
0x7: {  	_ = 	snop  }
0x8: {  	(tm) =	ssettm $0x1  }
0x9: {  	s18 =	sld [smem:$0x3FFB];
	_ =	sdelay $0x3  }
0xa: {  	_ =	strace s18  }
0xb: {  	s1 =	sld [smem:$0x3FFC];
	_ =	sdelay $0x3  }
0xc: {  	_ =	strace s1  }
0xd: {  	s1 =	sld [smem:$0x3FFD];
	_ =	sdelay $0x3  }
0xe: {  	_ =	strace s1  }
0xf: {  	_ =	strace $0x8FFFFFFF  }
0x10: {  	s19 =	sld [smem:$0x3FDB];
	_ =	sdelay $0x1  }
0x11: {  	s20 =	simm.s32 $_scs_section_size  }
0x12: {  	s4 =	simm.s32 $_size__tile_overlayer_lowered;
	s5 =	simm.s32 $_tile_overlayer_lowered  }
0x13: {  	s23 =	simm.s32 $0x1BFF;
	s22 =	sshll.u32 s5, $0x1;
	s1 =	sadd.s32 s20, s19  }
0x14: {  	s6 =	simm.s32 $0x0;
	s21 =	sshll.u32 s4, $0x1;
	s4 =	sadd.s32 s22, s1  }
0x15: {  	[timem:s6], [sflag:s23] =	dma.local [hbm:s4], s21  }
0x16: {  	_ =	swait.ge [sflag:s23], s21  }
0x17: {  	s2 =	ssub.s32 $0x0, s21;
	[sflag:s23] =	ssyncset.done $0x0  }
0x18: {  	[sflag:s23] =	ssyncadd.s32 s2;
	_ =	sdelay $0x1  }
0x19: {  	s24 =	simm.s32 $0x1B8B  }
0x1a: {  	_ =	swait.ge [sflag:s24], $0x1  }
0x1b: {  	[sflag:s24] =	ssyncset.done $0x0  }
0x1c: {  	s26 =	simm.s32 $0x1B8E;
	s25 =	sld [smem:$0x3FFE];
	[sflag:s24] =	ssyncadd.s32 $0xFFFFFFFF  }
0x1d: {  	s27 =	simm.s32 $execute0_lowered;
	[smem:$0x3FD2] =	sst s26  }
0x1e: {  	s4 =	sshll.u32 s27, $0x1;
	_ =	strace $0x8000004F;
	[dreg:$0x1] =	wrdreg $0xFFFFFFFF  }
0x1f: {  	s28 =	simm.s32 $_size_execute0_lowered;
	s1 =	sadd.s32 s1, s4;
	[dreg:$0x0] =	wrdreg $0x0  }
0x20: {  	s4 =	sshll.u32 s28, $0x1;
	[dreg:$0x2] =	wrdreg s1  }
0x21: {  	[dreg:$0x3] =	wrdreg s4  }
0x22: {  	[dreg:$0x4] =	wrdreg $0xC0  }
0x23: {  	_ =	task [dreg:s6], $0x5FFFF  }
0x24: {  	[dreg:$0x1] =	wrdreg $0xFFFFFFFF  }
0x25: {  	[dreg:$0x0] =	wrdreg $0x60  }
0x26: {  	[dreg:$0x2] =	wrdreg s25  }
0x27: {  	[dreg:$0x3] =	wrdreg $0x9  }
0x28: {  	_ =	task.clear_ibuf [dreg:s6], $0x4FFFF;
	_ =	strace $0x9000004F  }
0x29: {  	s29 =	simm.s32 $0x9;
	_ =	strace $0x80000051  }
0x2a: {  	_ =	swait.ge [sflag:s29], $0x1  }
0x2b: {  	[sflag:s29] =	ssyncadd.s32 $0xFFFFFFFF  }
0x2c: {  	_ =	strace $0x90000051  }
0x2d: {  	_ =	sfence  }
0x2e: {  	s30 =	sld [smem:$0x0];
	_ =	sdelay $0x2  }
0x2f: {  	s31 =	sshll.u32 s3, $0xD;
	s3 =	sshrl.u32 s3, $0x2  }
0x30: {  	s2 =	sand.u32 $0x4000, s31;
	s1 =	sadd.s32 s3, s30  }
0x31: {  	s0 =	sor.u32 s2, s0;
	s1 =	sshll.u32 s1, $0x11  }
0x32: {  	s0 =	sor.u32 s1, s0  }
0x33: {  	s0 =	sadd.s32 $0x8F2B, s0  }
0x34: {  	[sflag:s0] =	ssyncadd.remote.s32 $0x1  }
0x35: {  	_ =	sfence.sel $0xFFFF  }
0x36: {  	[dreg:$0x0] =	wrdreg $0xFFFFFFFF;
	(pc) =	sbr.abs _section_cstart, $3  }
0x37: {  	[dreg:$0x1] =	wrdreg $0xFFFFFFFF  }
0x38: {  	_ =	task.clear_ibuf [dreg:s6], $0x2FFFF;
	_ =	strace $0x9FFFFFFF  }
0x39: {  	(tm) =	ssettm $0x7FFFFFFF  }
tec
execute0_lowered:
.L_overlay_start_1:
0x0: {  	(tag) =	ssettag $0x1  }
0x1: {  	s0 =	srdreg.scid  }
0x2: {  	s6 =	rddreg [dreg:$0x0];
	s7 =	simm.s32 $0x1;
	s1 =	sshll.u32 s0, $0x4  }
0x3: {  	s8 =	simm.s32 $0x2;
	s0 =	stileid.u32;
	s1 =	sand.u32 $0x10, s1  }
0x4: {  	s13 =	simm.s32 $0x0;
	s12 =	simm.s32 $0x0;
	s1 =	sor.u32 s0, s1  }
0x5: {  	s10 =	simm.s32 $0x0;
	s3 =	sadd.s32 $0x242400, s6;
	s2 =	sshll.u32 s1, $0x8  }
0x6: {  	s11 =	simm.s32 $0x0;
	s6 =	sadd.s32 $0x774A00, s6;
	s5 =	ssub.s32 $0x40000, s2  }
.Ltmp0:
0x7: {  	s1 =	rddreg [dreg:$0x1];
	s4 =	sand.u32 $0x1F00, s5;
	(pc) =	sbr.rel .LBB1_1-.Ltmp0, $4  }
0x8: {  	_ =	strace $0x80000050;
	s9 =	smov.u32 s2;
	p0 =	sne.s32 s4, $0x0  }
0x9: {  	s5 =	sshrl.u32 s5, $0xD;
	s4 =	simm.s32 $0x1;
	s7 =	simm.s32 @!p0 $0x0  }
0xa: {  	[sflag:s4] =	ssyncpa.u1 $0x0;
	p0 =	por $0x0, $0x0;
	s5 =	sadd.s32 s7, s5  }
0xb: {  	[sflag:s8] =	ssyncpa.u1 $0x0;
	s8 =	simm.s32 $0x80;
	s7 =	sadd.s32 $0x1, s5  }
.LBB1_4:
0xc: {  	_ = 	snop  }
0xd: {  	[tilespmem:s18+$0x1860 ss:$0x41] =	vst.msk $0xffff, v8  }
0xe: {  	[tilespmem:s18+$0x1C70 ss:$0x41] =	vst.msk $0xffff, v7  }
0xf: {  	[tilespmem:s18+$0x2490 ss:$0x41] =	vst.msk $0xffff, v1  }
0x10: {  	s21 =	sor.u32 s24, s23;
	v47 =	vld.idx.msk [tilespmem:v0+s16+$0x470 ss:$0x1], $0xffff;
	[tilespmem:s18+$0x28A0 ss:$0x41] =	vst.msk $0xffff, v2  }
0x11: {  	[tilespmem:s18+$0x2CB0 ss:$0x41] =	vst.msk $0xffff, v3;
	v57 =	vld.idx.msk [tilespmem:v0+s21+$0x410 ss:$0x1], $0xffff  }
0x12: {  	[tilespmem:s18+$0x30C0 ss:$0x41] =	vst.msk $0xffff, v4;
	v58 =	vld.idx.msk [tilespmem:v0+s21+$0x420 ss:$0x1], $0xffff  }
0x13: {  	[tilespmem:s18+$0x34D0 ss:$0x41] =	vst.msk $0xffff, v5;
	v59 =	vld.idx.msk [tilespmem:v0+s21+$0x430 ss:$0x1], $0xffff  }
0x14: {  	s27 =	sshra.s32 s19, $0x2;
	[tilespmem:s18+$0x38E0 ss:$0x41] =	vst.msk $0xffff, v6;
	v60 =	vld.idx.msk [tilespmem:v0+s21+$0x440 ss:$0x1], $0xffff  }
0x15: {  	s22 =	sand.u32 $0x3B00, s21;
	s16 =	sadd.s32 s27, s17;
	v61 =	vld.idx.msk [tilespmem:v0+s21+$0x450 ss:$0x1], $0xffff;
	[tilespmem:s18+$0x3CF0 ss:$0x41] =	vst.msk $0xffff, v47  }
0x16: {  	s20 =	sand.u32 $0x80, s20;
	v62 =	vld.idx.msk [tilespmem:v0+s21+$0x460 ss:$0x1], $0xffff;
	s15 =	sadd.s32 s22, s15;
	[tilespmem:s16+$0x2490 ss:$0x41] =	vst.msk $0xffff, v57  }
0x17: {  	v63 =	vld.idx.msk [tilespmem:v0+s21+$0x470 ss:$0x1], $0xffff;
	s15 =	sadd.s32 s20, s15;
	[tilespmem:s16+$0x28A0 ss:$0x41] =	vst.msk $0xffff, v58  }
0x18: {  	v48 =	vld [tilespmem:s15+$0x400];
	[tilespmem:s16+$0x2CB0 ss:$0x41] =	vst.msk $0xffff, v59  }
0x19: {  	v49 =	vld [tilespmem:s15+$0x0];
	[tilespmem:s16+$0x30C0 ss:$0x41] =	vst.msk $0xffff, v60  }
0x1a: {  	v50 =	vld [tilespmem:s15+$0x10];
	[tilespmem:s16+$0x34D0 ss:$0x41] =	vst.msk $0xffff, v61  }
0x1b: {  	v51 =	vld [tilespmem:s15+$0x20];
	[tilespmem:s16+$0x38E0 ss:$0x41] =	vst.msk $0xffff, v62  }
0x1c: {  	v52 =	vld [tilespmem:s15+$0x30];
	[tilespmem:s16+$0x3CF0 ss:$0x41] =	vst.msk $0xffff, v63  }
0x1d: {  	v53 =	vld [tilespmem:s15+$0x40];
	[tilespmem:s16+$0x2080 ss:$0x41] =	vst.msk $0xffff, v48  }
0x1e: {  	v54 =	vld [tilespmem:s15+$0x50];
	[tilespmem:s16+$0x0 ss:$0x41] =	vst.msk $0xffff, v49  }
0x1f: {  	s13 =	sshll.u32 s13, $0x7;
	s28 =	sshll.u32 s12, $0x3;
	v55 =	vld [tilespmem:s15+$0x60];
	[tilespmem:s16+$0x410 ss:$0x41] =	vst.msk $0xffff, v50  }
0x20: {  	s29 =	sand.u32 $0x1FFFC00, s13;
	v56 =	vld [tilespmem:s15+$0x70];
	s15 =	sand.u32 $0x1FFFC00, s28;
	[tilespmem:s16+$0x820 ss:$0x41] =	vst.msk $0xffff, v51  }
0x21: {  	s13 =	sand.u32 $0x380, s13;
	s15 =	sadd.s32 s15, s29;
	[tilespmem:s16+$0xC30 ss:$0x41] =	vst.msk $0xffff, v52  }
0x22: {  	s30 =	sshrl.u32 s12, $0x3;
	s13 =	sor.u32 s13, s15;
	[tilespmem:s16+$0x1040 ss:$0x41] =	vst.msk $0xffff, v53  }
0x23: {  	s31 =	sand.u32 $0x7, s12;
	s15 =	sand.u32 $0xF, s30;
	s13 =	sshrl.u32 s13, $0x3;
	[tilespmem:s16+$0x1450 ss:$0x41] =	vst.msk $0xffff, v54  }
0x24: {  	s12 =	sshll.u32 s31, $0x12;
	s15 =	sadd.s32 s6, s15;
	s13 =	sand.u32 $0x3FFFF0, s13;
	[tilespmem:s16+$0x1860 ss:$0x41] =	vst.msk $0xffff, v55  }
0x25: {  	s12 =	sor.u32 $0x40, s12;
	[tilespmem:s16+$0x1C70 ss:$0x41] =	vst.msk $0xffff, v56;
	s13 =	sadd.s32 s13, s15  }
0x26: {  	[hbm4b:s13+s12] =	stream.strided.scatter [tilespmem:s14], [sflag:$0x2], $0x4000, s8, s12, $0x18;
	[tilespmem:$0x10200] =	vst v63  }
.LBB1_5:
0x27: {  	s14 =	sadd.s32 $0x2000, s9  }
0x28: {  	s12 =	sadd.s32 $0x40, s10;
	s16 =	smov.u32 s10;
	p2 =	sgt.s32 s14, $0x3FFFF  }
0x29: {  	s16 =	smov.u32 @p2 s12  }
0x2a: {  	s14 =	smov.u32 @p2 s2;
	p2 =	sgt.s32 s16, $0x3F  }
0x2b: {  	s16 =	simm.s32 @p2 $0x0;
	p2 =	sne.s32 s11, s7  }
.Ltmp1:
0x2c: {  	p1 =	slt.u32 s11, $0x2;
	(pc) =	sbr.rel @!p2 .LBB1_6-.Ltmp1, $4  }
0x2d: {  	s15 =	simm.s32 @!p1 $0x2  }
0x2e: {  	s13 =	smov.u32 s9;
	p0 =	por !p0, !p0;
	_ =	swait.ge @!p1 [sflag:s15], $0x4000  }
0x2f: {  	s12 =	smov.u32 s10;
	[sflag:s15] =	ssyncset.done @!p1 $0x0;
	s9 =	smov.u32 s14  }
0x30: {  	s11 =	sadd.s32 $0x1, s11;
	[sflag:s15] =	ssyncadd.s32 @!p1 $0xFFFFC000;
	s10 =	smov.u32 s16  }
.LBB1_1:
0x31: {  	p1 =	sge.u32 s11, s5;
	s31 =	sadd.s32 $0xFFFFFFFF, s11  }
0x32: {  	s14 =	sand.u32 @!p1 $0x78, s9;
	s15 =	sshll.u32 @!p1 s10, $0x12;
	s16 =	sshll.u32 @!p1 s10, $0x7  }
0x33: {  	s17 =	sshll.u32 @!p1 s9, $0x3;
	s15 =	sand.u32 @!p1 $0xE00000, s15;
	s16 =	sand.u32 @!p1 $0x380, s16  }
0x34: {  	s15 =	sadd.s32 @!p1 s15, s17;
	s17 =	sand.u32 @!p1 $0x3FC00, s17;
	s14 =	sor.u32 @!p1 s16, s14  }
0x35: {  	s16 =	sxor.u32 @!p1 $0xFFFFFFFF, s11;
	s15 =	sand.u32 @!p1 $0xFC0000, s15;
	s14 =	sor.u32 @!p1 s17, s14  }
0x36: {  	s16 =	sshll.u32 @!p1 s16, $0xE;
	s14 =	sor.u32 @!p1 s15, s14;
	s15 =	sand.u32 @!p1 $0x7, s9  }
0x37: {  	s17 =	simm.s32 @!p1 $0x200000;
	s14 =	sshrl.u32 @!p1 s14, $0x3;
	s15 =	sshll.u32 @!p1 s15, $0x12  }
0x38: {  	s16 =	sand.u32 @!p1 $0x4000, s16;
	s14 =	sadd.s32 @!p1 s3, s14;
	s15 =	sor.u32 @!p1 $0x800, s15  }
0x39: {  	[tilespmem:s16], [sflag:$0x1] =	stream.strided.gather @!p1 [hbm4b:s14+s15], $0x4000, s17, s15, $0x38;
	[tilespmem:$0x10200] =	vst v63  }
0x3a: {  	p1 =	sge.u32 s31, s5  }
.Ltmp2:
0x3b: {  	_ = 	snop;
	(pc) =	sbr.rel @p1 .LBB1_5-.Ltmp2, $1  }
0x3c: {  	_ =	sdelay $0x3  }
0x3d: {  	s17 =	simm.s32 $0x0  }
0x3e: {  	s16 =	sand.u32 $0x3800, s17;
	s18 =	sand.u32 $0x380, s17  }
0x3f: {  	s14 =	sand.u32 $0x1, s11;
	s16 =	sor.u32 s18, s16  }
0x40: {  	_ =	swait.ge [sflag:s4], $0x4000;
	s15 =	sshll.u32 s14, $0xE;
	s18 =	sand.u32 $0x3B00, s16  }
0x41: {  	[sflag:s4] =	ssyncset.done $0x0;
	s17 =	sand.u32 $0x80, s17;
	s18 =	sadd.s32 s18, s15  }
0x42: {  	[sflag:s4] =	ssyncadd.s32 $0xFFFFC000;
	s20 =	sadd.s32 s17, s18  }
0x43: {  	v4 =	vld [tilespmem:s20+$0x400]  }
0x44: {  	s19 =	simm.s32 $0x1;
	v5 =	vld [tilespmem:s20+$0x0]  }
0x45: {  	s19 =	simm.s32 @!p0 $0x0;
	v6 =	vld [tilespmem:s20+$0x10]  }
0x46: {  	v0 =	vmov s15;
	s31 =	smul.u32 $0x10400, s19;
	v7 =	vld [tilespmem:s20+$0x20]  }
0x47: {  	v9 =	vld [tilespmem:s20+$0x30]  }
0x48: {  	s17 =	sshrl.u32 s31, $0x2;
	v10 =	vld [tilespmem:s20+$0x40]  }
0x49: {  	s17 =	sor.u32 $0x8000, s17;
	v11 =	vld [tilespmem:s20+$0x50]  }
0x4a: {  	v8 =	vld [tilespmem:s20+$0x60];
	s18 =	sadd.s32 $0x0, s17  }
0x4b: {  	v1 =	vld.idx.msk [tilespmem:v0+s16+$0x410 ss:$0x1], $0xffff;
	[tilespmem:s18+$0x2080 ss:$0x41] =	vst.msk $0xffff, v4  }
0x4c: {  	v2 =	vld.idx.msk [tilespmem:v0+s16+$0x420 ss:$0x1], $0xffff;
	[tilespmem:s18+$0x0 ss:$0x41] =	vst.msk $0xffff, v5  }
0x4d: {  	v3 =	vld.idx.msk [tilespmem:v0+s16+$0x430 ss:$0x1], $0xffff;
	[tilespmem:s18+$0x410 ss:$0x41] =	vst.msk $0xffff, v6  }
0x4e: {  	s14 =	smul.u32 $0x10400, s14;
	[tilespmem:s18+$0x820 ss:$0x41] =	vst.msk $0xffff, v7;
	v7 =	vld [tilespmem:s20+$0x70]  }
0x4f: {  	s21 =	simm.s32 $0x100;
	s22 =	simm.s32 $0x8;
	[tilespmem:s18+$0xC30 ss:$0x41] =	vst.msk $0xffff, v9;
	v4 =	vld.idx.msk [tilespmem:v0+s16+$0x440 ss:$0x1], $0xffff  }
0x50: {  	s23 =	sand.u32 $0x3800, s21;
	s14 =	sshrl.u32 s14, $0x2;
	[tilespmem:s18+$0x1040 ss:$0x41] =	vst.msk $0xffff, v10;
	v5 =	vld.idx.msk [tilespmem:v0+s16+$0x450 ss:$0x1], $0xffff;
	s20 =	simm.s32 $0x80  }
0x51: {  	s19 =	simm.s32 $0x4;
	s14 =	sor.u32 $0x8000, s14;
	[tilespmem:s18+$0x1450 ss:$0x41] =	vst.msk $0xffff, v11;
	v6 =	vld.idx.msk [tilespmem:v0+s16+$0x460 ss:$0x1], $0xffff;
	s24 =	sand.u32 $0x380, s20  }
.LBB1_3:
0x52: {  	p1 =	sne.s32 s22, $0xFC;
	[tilespmem:s18+$0x1860 ss:$0x41] =	vst.msk $0xffff, v8;
	v8 =	vld.idx.msk [tilespmem:v0+s16+$0x470 ss:$0x1], $0xffff;
	s16 =	sor.u32 s24, s23  }
0x53: {  	s23 =	sand.u32 $0x3B00, s16;
	v9 =	vld.idx.msk [tilespmem:v0+s16+$0x410 ss:$0x1], $0xffff;
	[tilespmem:s18+$0x1C70 ss:$0x41] =	vst.msk $0xffff, v7  }
0x54: {  	s24 =	sand.u32 $0x80, s20;
	s23 =	sadd.s32 s23, s15;
	v7 =	vld.idx.msk [tilespmem:v0+s16+$0x420 ss:$0x1], $0xffff;
	[tilespmem:s18+$0x2490 ss:$0x41] =	vst.msk $0xffff, v1  }
0x55: {  	s23 =	sadd.s32 s24, s23;
	v10 =	vld.idx.msk [tilespmem:v0+s16+$0x430 ss:$0x1], $0xffff;
	[tilespmem:s18+$0x28A0 ss:$0x41] =	vst.msk $0xffff, v2  }
0x56: {  	v11 =	vld [tilespmem:s23+$0x400];
	[tilespmem:s18+$0x2CB0 ss:$0x41] =	vst.msk $0xffff, v3  }
0x57: {  	v12 =	vld [tilespmem:s23+$0x0];
	[tilespmem:s18+$0x30C0 ss:$0x41] =	vst.msk $0xffff, v4  }
0x58: {  	v4 =	vld [tilespmem:s23+$0x10];
	[tilespmem:s18+$0x34D0 ss:$0x41] =	vst.msk $0xffff, v5  }
0x59: {  	s24 =	sshra.s32 s19, $0x2;
	s19 =	smov.u32 s22;
	v1 =	vmov v9;
	v5 =	vld [tilespmem:s23+$0x20];
	[tilespmem:s18+$0x38E0 ss:$0x41] =	vst.msk $0xffff, v6  }
0x5a: {  	v2 =	vmov v7;
	v6 =	vld [tilespmem:s23+$0x30];
	[tilespmem:s18+$0x3CF0 ss:$0x41] =	vst.msk $0xffff, v8;
	s18 =	sadd.s32 s24, s17  }
0x5b: {  	v3 =	vmov v10;
	v9 =	vld [tilespmem:s23+$0x40];
	[tilespmem:s18+$0x2080 ss:$0x41] =	vst.msk $0xffff, v11  }
0x5c: {  	[tilespmem:s18+$0x0 ss:$0x41] =	vst.msk $0xffff, v12;
	v10 =	vld [tilespmem:s23+$0x50]  }
.Ltmp3:
0x5d: {  	[tilespmem:s18+$0x410 ss:$0x41] =	vst.msk $0xffff, v4;
	v8 =	vld [tilespmem:s23+$0x60];
	(pc) =	sbr.rel @p1 .LBB1_3-.Ltmp3, $4  }
0x5e: {  	[tilespmem:s18+$0x820 ss:$0x41] =	vst.msk $0xffff, v5;
	v7 =	vld [tilespmem:s23+$0x70]  }
0x5f: {  	[tilespmem:s18+$0xC30 ss:$0x41] =	vst.msk $0xffff, v6;
	v4 =	vld.idx.msk [tilespmem:v0+s16+$0x440 ss:$0x1], $0xffff  }
0x60: {  	s20 =	sadd.s32 $0x80, s20;
	s21 =	sadd.s32 $0x100, s21;
	[tilespmem:s18+$0x1040 ss:$0x41] =	vst.msk $0xffff, v9;
	v5 =	vld.idx.msk [tilespmem:v0+s16+$0x450 ss:$0x1], $0xffff  }
0x61: {  	s22 =	sadd.s32 $0x4, s22;
	s24 =	sand.u32 $0x380, s20;
	s23 =	sand.u32 $0x3800, s21;
	[tilespmem:s18+$0x1450 ss:$0x41] =	vst.msk $0xffff, v10;
	v6 =	vld.idx.msk [tilespmem:v0+s16+$0x460 ss:$0x1], $0xffff  }
.Ltmp4:
0x62: {  	_ = 	snop;
	(pc) =	sbr.rel .LBB1_4-.Ltmp4, $1  }
0x63: {  	_ =	sdelay $0x3  }
.LBB1_6:
0x64: {  	_ =	sfence.sel $0x180000  }
0x65: {  	s2 =	simm.s32 $0x1;
	[bflag:$0x0] =	sbarrier.arrive $0xFFFF  }
0x66: {  	s31 =	simm.s32 $0x2;
	[sflag:s2] =	ssyncpa.u1 $0x1  }
0x67: {  	[sflag:s31] =	ssyncpa.u1 $0x1  }
0x68: {  	p0 =	sne.s32 s0, $0x0;
	_ =	strace $0x90000050  }
0x69: {  	s0 =	sadd.s32 @!p0 $0x100000, s1;
	[bflag:$0x2] =	sbarrier.arrive $0xFFFF  }
0x6a: {  	[sflag:s0] =	ssyncadd.tile.s32 @!p0 $0x1;
	_ =	shalt  }
.Lfunc_end1:
_tile_overlayer_lowered:
.L_overlay_start_2:
0x6b: {  	(tag) =	ssettag $0x2  }
0x6c: {  	s0 =	rddreg [dreg:$0x0];
	s2 =	stileid.u32  }
0x6d: {  	s1 =	rddreg [dreg:$0x1];
	p0 =	sne.s32 s2, $0x0  }
0x6e: {  	s3 =	rddreg [dreg:$0x2];
	[bflag:$0x3] =	sbarrier.arrive $0xFFFF;
	s2 =	simm.s32 @!p0 $0x1C01  }
0x6f: {  	[timem:s3], [sflag:s2] =	dma.local @!p0 [hbm:s0], s1  }
0x70: {  	s0 =	simm.s32 @!p0 $0x1  }
0x71: {  	_ =	swait.ge @!p0 [sflag:s0], s1  }
0x72: {  	s1 =	ssub.s32 @!p0 $0x0, s1;
	[sflag:s0] =	ssyncset.done @!p0 $0x0  }
0x73: {  	[sflag:s0] =	ssyncadd.s32 @!p0 s1  }
0x74: {  	[bflag:$0x3] =	sbarrier.arrive $0xFFFF  }
0x75: {  	_ =	shalt  }

</sc_bundles>
